<compile_context>
chip_gen: v7x
topology: tpu7x:2x2x1
jax: 0.10.2.dev20260603
libtpu: 0.0.44.dev20260713+nightly
codegen_flags: <defaults>
</compile_context>

<pallas_src>
import functools

import numpy as np
import jax
import jax.numpy as jnp
from jax import lax
from jax.experimental import pallas as pl
from jax.experimental.pallas import tpu as pltpu
from jax.experimental.pallas import tpu_sc as plsc

_EPS = 1e-3

_RD = np.zeros((8, 64), np.float32)
for _a in range(8):
    for _b in range(8):
        _RD[_b, _a * 8 + _b] += 1.0
        _RD[_a, _a * 8 + _b] -= 1.0


def _sc_gather(table, idx):
    B = idx.shape[0]
    info = plsc.get_sparse_core_info()
    nw = info.num_cores * info.num_subcores
    b_per_w = B // nw
    ch = 2000
    assert b_per_w % ch == 0 and ch % 8 == 0
    n_ch = b_per_w // ch
    mesh = plsc.VectorSubcoreMesh(core_axis_name="c", subcore_axis_name="s")

    @functools.partial(
        pl.kernel,
        mesh=mesh,
        out_type=jax.ShapeDtypeStruct((B, 16), jnp.float32),
        scratch_types=[
            pltpu.VMEM((ch,), jnp.int32),
            pltpu.VMEM((ch, 16), jnp.float32),
            pltpu.SemaphoreType.DMA,
        ],
        compiler_params=pltpu.CompilerParams(use_tc_tiling_on_sc=False),
    )
    def gather_k(table_hbm, idx_hbm, out_hbm, idx_v, rows_v, sem):
        wid = lax.axis_index("s") * info.num_cores + lax.axis_index("c")
        base = wid * b_per_w
        for c in range(n_ch):
            off = base + c * ch
            pltpu.sync_copy(idx_hbm.at[pl.ds(off, ch)], idx_v)
            pltpu.async_copy(table_hbm.at[idx_v], rows_v, sem).wait()
            pltpu.sync_copy(rows_v, out_hbm.at[pl.ds(off, ch)])

    return gather_k(table, idx)


_P2 = float(np.pi / 2)
_C1 = float(np.float32(int(_P2 * 2**11) / 2**11))
_C2 = float(np.float32(int((_P2 - _C1) * 2**24) / 2**24))
_C3 = float(np.float32(_P2 - _C1 - _C2))
_BIG = float(1.5 * 2**23)
_INV_P2 = float(2.0 / np.pi)


def _sincos(h):
    kf = jnp.round(h * _INV_P2)
    q = kf.astype(jnp.int32)
    r = ((h - kf * _C1) - kf * _C2) - kf * _C3
    r2 = r * r
    sp = r * (1.0 + r2 * (-1.6666654611e-1 + r2 * (8.3321608736e-3
                                                   + r2 * -1.9515295891e-4)))
    cp = 1.0 - 0.5 * r2 + r2 * r2 * (4.166664568298827e-2
                                     + r2 * (-1.388731625493765e-3
                                             + r2 * 2.443315711809948e-5))
    swap = (q & 1) != 0
    s_base = jnp.where(swap, cp, sp)
    c_base = jnp.where(swap, sp, cp)
    s = jnp.where((q & 2) != 0, -s_base, s_base)
    c = jnp.where(((q + 1) & 2) != 0, -c_base, c_base)
    return c, s


def _cross(a, b):
    a0, a1, a2 = a[:, 0:1], a[:, 1:2], a[:, 2:3]
    b0, b1, b2 = b[:, 0:1], b[:, 1:2], b[:, 2:3]
    return jnp.concatenate(
        [a1 * b2 - a2 * b1, a2 * b0 - a0 * b2, a0 * b1 - a1 * b0], axis=1)


def _nrm(v):
    return v / jnp.sqrt(jnp.sum(v * v, axis=1, keepdims=True) + _EPS)


def _dense_body(x_ref, xj_ref, wv_ref, bd_ref, rd_ref, out_ref):
    rb = x_ref.shape[0]
    e = xj_ref.shape[0]
    k = e // rb
    x = x_ref[...]
    xj = xj_ref[...]
    xn, xca, xc = x[:, 0:3], x[:, 3:6], x[:, 6:9]
    n1 = _nrm(xn - xca)
    u2 = _nrm(xc - xca)
    n2 = _nrm(_cross(n1, u2))
    n3 = _nrm(_cross(n1, n2))
    bund = jnp.concatenate([x[:, 0:12], n1, n2, n3], axis=1)
    bund_e = jnp.broadcast_to(bund[:, None, :], (rb, k, 21)).reshape(e, 21)
    xi = bund_e[:, 0:12]
    n1e = bund_e[:, 12:15]
    n2e = bund_e[:, 15:18]
    n3e = bund_e[:, 18:21]
    def bf(v):
        return v.astype(jnp.bfloat16).astype(jnp.float32)
    dt = bf(xj[:, 3:6] - bund_e[:, 3:6])
    t1 = jnp.sum(bf(n1e) * dt, axis=1, keepdims=True)
    t2 = jnp.sum(bf(n2e) * dt, axis=1, keepdims=True)
    t3 = jnp.sum(bf(n3e) * dt, axis=1, keepdims=True)
    tj16 = jnp.concatenate(
        [t1, t2, t3, jnp.zeros((e, 13), jnp.float32)], axis=1)
    hv = jnp.dot(tj16, wv_ref[...], preferred_element_type=jnp.float32)
    px = jnp.concatenate(
        [xi[:, 0:1], xi[:, 3:4], xi[:, 6:7], xi[:, 9:10],
         xj[:, 0:1], xj[:, 3:4], xj[:, 6:7], xj[:, 9:10]], axis=1)
    py = jnp.concatenate(
        [xi[:, 1:2], xi[:, 4:5], xi[:, 7:8], xi[:, 10:11],
         xj[:, 1:2], xj[:, 4:5], xj[:, 7:8], xj[:, 10:11]], axis=1)
    pz = jnp.concatenate(
        [xi[:, 2:3], xi[:, 5:6], xi[:, 8:9], xi[:, 11:12],
         xj[:, 2:3], xj[:, 5:6], xj[:, 8:9], xj[:, 11:12]], axis=1)
    rd = rd_ref[...]
    hi = lax.Precision.HIGHEST
    dx = jnp.dot(px, rd, precision=hi, preferred_element_type=jnp.float32)
    dy = jnp.dot(py, rd, precision=hi, preferred_element_type=jnp.float32)
    dz = jnp.dot(pz, rd, precision=hi, preferred_element_type=jnp.float32)
    d = jnp.sqrt(dx * dx + dy * dy + dz * dz + _EPS)
    hd = jnp.dot(d, bd_ref[...], preferred_element_type=jnp.float32)
    cv, sv = _sincos(hv)
    cd, sd = _sincos(hd)
    out_ref[...] = jnp.concatenate([cv + cd, sv + sd], axis=1)


def _dense(xpad, xje, wv, bd, L, K, rb):
    e = rb * K
    grid = L // rb
    rd = jnp.asarray(_RD)
    return pl.pallas_call(
        _dense_body,
        grid=(grid,),
        in_specs=[
            pl.BlockSpec((rb, 16), lambda i: (i, 0)),
            pl.BlockSpec((e, 16), lambda i: (i, 0)),
            pl.BlockSpec((16, 64), lambda i: (0, 0)),
            pl.BlockSpec((64, 64), lambda i: (0, 0)),
            pl.BlockSpec((8, 64), lambda i: (0, 0)),
        ],
        out_specs=pl.BlockSpec((e, 128), lambda i: (i, 0)),
        out_shape=jax.ShapeDtypeStruct((L * K, 128), jnp.float32),
    )(xpad, xje, wv, bd, rd)


def kernel(X, edge_idx, C, B_vec, B_dist):
    nb, L, K = edge_idx.shape
    xflat = X.reshape(L, 12)
    xpad = jnp.pad(xflat, ((0, 0), (0, 4)))
    idx = edge_idx.reshape(L * K)
    xje = _sc_gather(xpad, idx)
    wv = jnp.concatenate([B_vec, jnp.zeros((13, 64), jnp.float32)], axis=0)
    out = _dense(xpad, xje, wv, B_dist, L, K, 80)
    return out.reshape(nb, L, K, 128)

# --- scband reference (transcript-rebuilt; emitter-appended) ---
"""Pipeline reference for scband-edge-random-fourier-features2grid-23759759081735 (READ-ONLY COPY).

The authoritative reference and input builder live on the scoring server;
editing this copy changes nothing except your own understanding.
"""

import jax, jax.numpy as jnp
import numpy as np

_EPS = 1e-3


def _fourier(x, B):
    # FourierFeaturization: h = x @ B ; out = [cos(h), sin(h)] (B pre-scaled by 2*pi*scale)
    h = x @ B
    return jnp.concatenate([jnp.cos(h), jnp.sin(h)], axis=-1)


def _normed_vec(v, eps=_EPS):
    return v / jnp.sqrt(jnp.sum(v * v, axis=-1, keepdims=True) + eps)


def _normed_cross(a, b, eps=_EPS):
    return _normed_vec(jnp.cross(a, b), eps)


def _collect_neighbors(node_h, edge_idx):
    # node_h: (B, L, ...) -> (B, L, K, ...) gathered at edge_idx along residue dim
    nb = node_h.shape[0]
    bidx = jnp.arange(nb)[:, None, None]
    return node_h[bidx, edge_idx]


def setup_inputs(seed: int = 0):
    key = jax.random.key(seed)
    k1, k2, k3, k4 = jax.random.split(key, 4)
    Bz, L, K = 1, 10000, 32
    X = jax.random.normal(k1, (Bz, L, 4, 3), dtype=jnp.float32)
    edge_idx = jax.random.randint(k2, (Bz, L, K), 0, L)
    C = jnp.ones((Bz, L), dtype=jnp.int32)
    dim_embedding = 128
    scale = 1.0
    # random fourier weight matrices (buffers since trainable=False), pre-scaled by 2*pi*scale
    B_vec = 2.0 * jnp.pi * scale * jax.random.normal(k3, (3, dim_embedding // 2), dtype=jnp.float32)
    B_dist = 2.0 * jnp.pi * scale * jax.random.normal(k4, (64, dim_embedding // 2), dtype=jnp.float32)
    return {"X": X, "edge_idx": edge_idx, "C": C, "B_vec": B_vec, "B_dist": B_dist}


def reference(X, edge_idx, C, B_vec, B_dist):
    nb, L, K = edge_idx.shape
    G = X.shape[2]
    # --- Edge2grids ---
    X_flat = X.reshape(nb, L, G * 3)
    X_i = jnp.broadcast_to(X_flat[:, :, None, :], (nb, L, K, G * 3))
    X_j = _collect_neighbors(X_flat, edge_idx)
    X_ij = jnp.concatenate([X_i, X_j], axis=-1).reshape(nb, L, K, 2 * G, 3)
    mask_i = (C > 0).astype(jnp.float32)[..., None]
    mask_j = _collect_neighbors(mask_i, edge_idx)
    mask_ij = mask_i[:, :, None, :] * mask_j  # computed as in torch forward (not used downstream)
    # --- geometry.Distances over dim=-2 (pairwise distances among 2G points) ---
    dX = X_ij[..., None, :, :] - X_ij[..., :, None, :]
    D_ij = jnp.sqrt(jnp.sum(dX * dX, axis=-1) + _EPS)
    D_ij = D_ij.reshape(nb, L, K, (2 * G) * (2 * G))
    # --- FrameBuilder.inverse: frames from backbone N, CA, C ---
    X_N, X_CA, X_C = X[:, :, 0, :], X[:, :, 1, :], X[:, :, 2, :]
    u_CA_N = _normed_vec(X_N - X_CA)
    u_CA_C = _normed_vec(X_C - X_CA)
    n1 = u_CA_N
    n2 = _normed_cross(n1, u_CA_C)
    n3 = _normed_cross(n1, n2)
    R_i = jnp.stack([n1, n2, n3], axis=-1)
    t_i = X_CA
    # --- collect_neighbor_transforms ---
    R_j = _collect_neighbors(R_i, edge_idx)
    t_j = _collect_neighbors(t_i, edge_idx)
    # --- compose_inner_transforms(R_j, t_j, R_i, t_i): T_ji = T_i^{-1} o T_j ---
    R_i_exp = R_i[:, :, None, :, :]
    t_i_exp = t_i[:, :, None, :]
    R_i_inv = jnp.swapaxes(R_i_exp, -1, -2)
    t_ji = jnp.einsum('...ij,...j->...i', R_i_inv, t_j - t_i_exp)
    R_ji = jnp.matmul(R_i_inv, R_j)  # unused (use_quaternion=False)
    edge_h = _fourier(t_ji, B_vec) + _fourier(D_ij, B_dist)
    return edge_h

if __name__ == "__main__":
    import jax
    _d = setup_inputs()
    print(jax.jit(kernel)(*tuple(_d.values())))

</pallas_src>

<mosaic_0001>
#map = affine_map<(d0, d1) -> (0, 0)>
#map1 = affine_map<(d0, d1) -> (0)>
module attributes {stable_mosaic.version = 14 : i64} {
  func.func @gather_k(%arg0: i32, %arg1: i32, %arg2: memref<10000x16xf32, #tpu.memory_space<hbm>>, %arg3: memref<320000xi32, #tpu.memory_space<hbm>>, %arg4: memref<320000x16xf32, #tpu.memory_space<hbm>>, %arg5: memref<2000xi32, #tpu.memory_space<vmem>>, %arg6: memref<2000x16xf32, #tpu.memory_space<vmem>>, %arg7: memref<!tpu.dma_semaphore, #tpu.memory_space<semaphore_mem>>) attributes {dimension_semantics = [#tpu.dimension_semantics<core_parallel>, #tpu.dimension_semantics<subcore_parallel>], iteration_bounds = array<i64: 2, 16>, scalar_prefetch = 0 : i64, scratch_operands = 3 : i64, tpu.core_type = #tpu.core_type<sc_vector_subcore>, window_params = [{transform_indices = #map}, {transform_indices = #map1}, {transform_indices = #map}]} {
    %mul3A = arith.constant 2 : i32
    %mul3A_0 = arith.muli %arg1, %mul3A : i32
    %add3A = arith.addi %mul3A_0, %arg0 : i32
    %mul3A_1 = arith.constant 10000 : i32
    %mul3A_2 = arith.muli %add3A, %mul3A_1 : i32
    %add3A_3 = arith.constant 0 : i32
    %add3A_4 = arith.addi %mul3A_2, %add3A_3 : i32
    "tpu.region"() ({
      %run_scoped3A = tpu.sem_alloc : memref<!tpu.dma_semaphore, #tpu.memory_space<semaphore_mem>>
      %dma_start3A_41 = tpu.memref_slice %arg3[%add3A_4] : memref<320000xi32, #tpu.memory_space<hbm>> -> memref<2000xi32, #tpu.memory_space<hbm>>
      %dma_start3A_42 = tpu.memref_slice %arg3[%add3A_4] : memref<320000xi32, #tpu.memory_space<hbm>> -> memref<2000xi32, #tpu.memory_space<hbm>>
      tpu.enqueue_dma source(%dma_start3A_42 : memref<2000xi32, #tpu.memory_space<hbm>>) target(%arg5 : memref<2000xi32, #tpu.memory_space<vmem>>) target_semaphore(%run_scoped3A : memref<!tpu.dma_semaphore, #tpu.memory_space<semaphore_mem>>)
      %dma_wait3A_43 = tpu.memref_slice %arg3[%add3A_4] : memref<320000xi32, #tpu.memory_space<hbm>> -> memref<2000xi32, #tpu.memory_space<hbm>>
      %dma_wait3A_44 = tpu.memref_slice %arg3[%add3A_4] : memref<320000xi32, #tpu.memory_space<hbm>> -> memref<2000xi32, #tpu.memory_space<hbm>>
      tpu.wait_dma2 semaphore(%run_scoped3A : memref<!tpu.dma_semaphore, #tpu.memory_space<semaphore_mem>>) src(%dma_wait3A_44 : memref<2000xi32, #tpu.memory_space<hbm>>) dst(%arg5 : memref<2000xi32, #tpu.memory_space<vmem>>)
      tpu.yield
    }) : () -> ()
    %dma_start3A = arith.constant 0 : i32
    %dma_start3A_5 = arith.constant 0 : i32
    %dma_start3A_6 = tpu.memref_slice %arg2[%dma_start3A, %dma_start3A_5] : memref<10000x16xf32, #tpu.memory_space<hbm>> -> memref<10000x16xf32, #tpu.memory_space<hbm>>
    tpu.enqueue_indirect_dma source(%dma_start3A_6 : memref<10000x16xf32, #tpu.memory_space<hbm>>) target(%arg6 : memref<2000x16xf32, #tpu.memory_space<vmem>>) offsets(%arg5 : memref<2000xi32, #tpu.memory_space<vmem>>) semaphore(%arg7 : memref<!tpu.dma_semaphore, #tpu.memory_space<semaphore_mem>>)
    %dma_wait3A = arith.constant 0 : i32
    %dma_wait3A_7 = arith.constant 0 : i32
    %dma_wait3A_8 = tpu.memref_slice %arg2[%dma_wait3A, %dma_wait3A_7] : memref<10000x16xf32, #tpu.memory_space<hbm>> -> memref<10000x16xf32, #tpu.memory_space<hbm>>
    tpu.wait_indirect_dma semaphore(%arg7 : memref<!tpu.dma_semaphore, #tpu.memory_space<semaphore_mem>>) src(%dma_wait3A_8 : memref<10000x16xf32, #tpu.memory_space<hbm>>) dst(%arg6 : memref<2000x16xf32, #tpu.memory_space<vmem>>)
    "tpu.region"() ({
      %run_scoped3A = tpu.sem_alloc : memref<!tpu.dma_semaphore, #tpu.memory_space<semaphore_mem>>
      %dma_start3A_41 = arith.constant 0 : i32
      %dma_start3A_42 = tpu.memref_slice %arg4[%add3A_4, %dma_start3A_41] : memref<320000x16xf32, #tpu.memory_space<hbm>> -> memref<2000x16xf32, #tpu.memory_space<hbm>>
      %dma_start3A_43 = arith.constant 0 : i32
      %dma_start3A_44 = tpu.memref_slice %arg4[%add3A_4, %dma_start3A_43] : memref<320000x16xf32, #tpu.memory_space<hbm>> -> memref<2000x16xf32, #tpu.memory_space<hbm>>
      tpu.enqueue_dma source(%arg6 : memref<2000x16xf32, #tpu.memory_space<vmem>>) target(%dma_start3A_44 : memref<2000x16xf32, #tpu.memory_space<hbm>>) target_semaphore(%run_scoped3A : memref<!tpu.dma_semaphore, #tpu.memory_space<semaphore_mem>>)
      %dma_wait3A_45 = arith.constant 0 : i32
      %dma_wait3A_46 = tpu.memref_slice %arg4[%add3A_4, %dma_wait3A_45] : memref<320000x16xf32, #tpu.memory_space<hbm>> -> memref<2000x16xf32, #tpu.memory_space<hbm>>
      %dma_wait3A_47 = arith.constant 0 : i32
      %dma_wait3A_48 = tpu.memref_slice %arg4[%add3A_4, %dma_wait3A_47] : memref<320000x16xf32, #tpu.memory_space<hbm>> -> memref<2000x16xf32, #tpu.memory_space<hbm>>
      tpu.wait_dma2 semaphore(%run_scoped3A : memref<!tpu.dma_semaphore, #tpu.memory_space<semaphore_mem>>) src(%arg6 : memref<2000x16xf32, #tpu.memory_space<vmem>>) dst(%dma_wait3A_48 : memref<2000x16xf32, #tpu.memory_space<hbm>>)
      tpu.yield
    }) : () -> ()
    %add3A_9 = arith.constant 2000 : i32
    %add3A_10 = arith.addi %mul3A_2, %add3A_9 : i32
    "tpu.region"() ({
      %run_scoped3A = tpu.sem_alloc : memref<!tpu.dma_semaphore, #tpu.memory_space<semaphore_mem>>
      %dma_start3A_41 = tpu.memref_slice %arg3[%add3A_10] : memref<320000xi32, #tpu.memory_space<hbm>> -> memref<2000xi32, #tpu.memory_space<hbm>>
      %dma_start3A_42 = tpu.memref_slice %arg3[%add3A_10] : memref<320000xi32, #tpu.memory_space<hbm>> -> memref<2000xi32, #tpu.memory_space<hbm>>
      tpu.enqueue_dma source(%dma_start3A_42 : memref<2000xi32, #tpu.memory_space<hbm>>) target(%arg5 : memref<2000xi32, #tpu.memory_space<vmem>>) target_semaphore(%run_scoped3A : memref<!tpu.dma_semaphore, #tpu.memory_space<semaphore_mem>>)
      %dma_wait3A_43 = tpu.memref_slice %arg3[%add3A_10] : memref<320000xi32, #tpu.memory_space<hbm>> -> memref<2000xi32, #tpu.memory_space<hbm>>
      %dma_wait3A_44 = tpu.memref_slice %arg3[%add3A_10] : memref<320000xi32, #tpu.memory_space<hbm>> -> memref<2000xi32, #tpu.memory_space<hbm>>
      tpu.wait_dma2 semaphore(%run_scoped3A : memref<!tpu.dma_semaphore, #tpu.memory_space<semaphore_mem>>) src(%dma_wait3A_44 : memref<2000xi32, #tpu.memory_space<hbm>>) dst(%arg5 : memref<2000xi32, #tpu.memory_space<vmem>>)
      tpu.yield
    }) : () -> ()
    %dma_start3A_11 = arith.constant 0 : i32
    %dma_start3A_12 = arith.constant 0 : i32
    %dma_start3A_13 = tpu.memref_slice %arg2[%dma_start3A_11, %dma_start3A_12] : memref<10000x16xf32, #tpu.memory_space<hbm>> -> memref<10000x16xf32, #tpu.memory_space<hbm>>
    tpu.enqueue_indirect_dma source(%dma_start3A_13 : memref<10000x16xf32, #tpu.memory_space<hbm>>) target(%arg6 : memref<2000x16xf32, #tpu.memory_space<vmem>>) offsets(%arg5 : memref<2000xi32, #tpu.memory_space<vmem>>) semaphore(%arg7 : memref<!tpu.dma_semaphore, #tpu.memory_space<semaphore_mem>>)
    %dma_wait3A_14 = arith.constant 0 : i32
    %dma_wait3A_15 = arith.constant 0 : i32
    %dma_wait3A_16 = tpu.memref_slice %arg2[%dma_wait3A_14, %dma_wait3A_15] : memref<10000x16xf32, #tpu.memory_space<hbm>> -> memref<10000x16xf32, #tpu.memory_space<hbm>>
    tpu.wait_indirect_dma semaphore(%arg7 : memref<!tpu.dma_semaphore, #tpu.memory_space<semaphore_mem>>) src(%dma_wait3A_16 : memref<10000x16xf32, #tpu.memory_space<hbm>>) dst(%arg6 : memref<2000x16xf32, #tpu.memory_space<vmem>>)
    "tpu.region"() ({
      %run_scoped3A = tpu.sem_alloc : memref<!tpu.dma_semaphore, #tpu.memory_space<semaphore_mem>>
      %dma_start3A_41 = arith.constant 0 : i32
      %dma_start3A_42 = tpu.memref_slice %arg4[%add3A_10, %dma_start3A_41] : memref<320000x16xf32, #tpu.memory_space<hbm>> -> memref<2000x16xf32, #tpu.memory_space<hbm>>
      %dma_start3A_43 = arith.constant 0 : i32
      %dma_start3A_44 = tpu.memref_slice %arg4[%add3A_10, %dma_start3A_43] : memref<320000x16xf32, #tpu.memory_space<hbm>> -> memref<2000x16xf32, #tpu.memory_space<hbm>>
      tpu.enqueue_dma source(%arg6 : memref<2000x16xf32, #tpu.memory_space<vmem>>) target(%dma_start3A_44 : memref<2000x16xf32, #tpu.memory_space<hbm>>) target_semaphore(%run_scoped3A : memref<!tpu.dma_semaphore, #tpu.memory_space<semaphore_mem>>)
      %dma_wait3A_45 = arith.constant 0 : i32
      %dma_wait3A_46 = tpu.memref_slice %arg4[%add3A_10, %dma_wait3A_45] : memref<320000x16xf32, #tpu.memory_space<hbm>> -> memref<2000x16xf32, #tpu.memory_space<hbm>>
      %dma_wait3A_47 = arith.constant 0 : i32
      %dma_wait3A_48 = tpu.memref_slice %arg4[%add3A_10, %dma_wait3A_47] : memref<320000x16xf32, #tpu.memory_space<hbm>> -> memref<2000x16xf32, #tpu.memory_space<hbm>>
      tpu.wait_dma2 semaphore(%run_scoped3A : memref<!tpu.dma_semaphore, #tpu.memory_space<semaphore_mem>>) src(%arg6 : memref<2000x16xf32, #tpu.memory_space<vmem>>) dst(%dma_wait3A_48 : memref<2000x16xf32, #tpu.memory_space<hbm>>)
      tpu.yield
    }) : () -> ()
    %add3A_17 = arith.constant 4000 : i32
    %add3A_18 = arith.addi %mul3A_2, %add3A_17 : i32
    "tpu.region"() ({
      %run_scoped3A = tpu.sem_alloc : memref<!tpu.dma_semaphore, #tpu.memory_space<semaphore_mem>>
      %dma_start3A_41 = tpu.memref_slice %arg3[%add3A_18] : memref<320000xi32, #tpu.memory_space<hbm>> -> memref<2000xi32, #tpu.memory_space<hbm>>
      %dma_start3A_42 = tpu.memref_slice %arg3[%add3A_18] : memref<320000xi32, #tpu.memory_space<hbm>> -> memref<2000xi32, #tpu.memory_space<hbm>>
      tpu.enqueue_dma source(%dma_start3A_42 : memref<2000xi32, #tpu.memory_space<hbm>>) target(%arg5 : memref<2000xi32, #tpu.memory_space<vmem>>) target_semaphore(%run_scoped3A : memref<!tpu.dma_semaphore, #tpu.memory_space<semaphore_mem>>)
      %dma_wait3A_43 = tpu.memref_slice %arg3[%add3A_18] : memref<320000xi32, #tpu.memory_space<hbm>> -> memref<2000xi32, #tpu.memory_space<hbm>>
      %dma_wait3A_44 = tpu.memref_slice %arg3[%add3A_18] : memref<320000xi32, #tpu.memory_space<hbm>> -> memref<2000xi32, #tpu.memory_space<hbm>>
      tpu.wait_dma2 semaphore(%run_scoped3A : memref<!tpu.dma_semaphore, #tpu.memory_space<semaphore_mem>>) src(%dma_wait3A_44 : memref<2000xi32, #tpu.memory_space<hbm>>) dst(%arg5 : memref<2000xi32, #tpu.memory_space<vmem>>)
      tpu.yield
    }) : () -> ()
    %dma_start3A_19 = arith.constant 0 : i32
    %dma_start3A_20 = arith.constant 0 : i32
    %dma_start3A_21 = tpu.memref_slice %arg2[%dma_start3A_19, %dma_start3A_20] : memref<10000x16xf32, #tpu.memory_space<hbm>> -> memref<10000x16xf32, #tpu.memory_space<hbm>>
    tpu.enqueue_indirect_dma source(%dma_start3A_21 : memref<10000x16xf32, #tpu.memory_space<hbm>>) target(%arg6 : memref<2000x16xf32, #tpu.memory_space<vmem>>) offsets(%arg5 : memref<2000xi32, #tpu.memory_space<vmem>>) semaphore(%arg7 : memref<!tpu.dma_semaphore, #tpu.memory_space<semaphore_mem>>)
    %dma_wait3A_22 = arith.constant 0 : i32
    %dma_wait3A_23 = arith.constant 0 : i32
    %dma_wait3A_24 = tpu.memref_slice %arg2[%dma_wait3A_22, %dma_wait3A_23] : memref<10000x16xf32, #tpu.memory_space<hbm>> -> memref<10000x16xf32, #tpu.memory_space<hbm>>
    tpu.wait_indirect_dma semaphore(%arg7 : memref<!tpu.dma_semaphore, #tpu.memory_space<semaphore_mem>>) src(%dma_wait3A_24 : memref<10000x16xf32, #tpu.memory_space<hbm>>) dst(%arg6 : memref<2000x16xf32, #tpu.memory_space<vmem>>)
    "tpu.region"() ({
      %run_scoped3A = tpu.sem_alloc : memref<!tpu.dma_semaphore, #tpu.memory_space<semaphore_mem>>
      %dma_start3A_41 = arith.constant 0 : i32
      %dma_start3A_42 = tpu.memref_slice %arg4[%add3A_18, %dma_start3A_41] : memref<320000x16xf32, #tpu.memory_space<hbm>> -> memref<2000x16xf32, #tpu.memory_space<hbm>>
      %dma_start3A_43 = arith.constant 0 : i32
      %dma_start3A_44 = tpu.memref_slice %arg4[%add3A_18, %dma_start3A_43] : memref<320000x16xf32, #tpu.memory_space<hbm>> -> memref<2000x16xf32, #tpu.memory_space<hbm>>
      tpu.enqueue_dma source(%arg6 : memref<2000x16xf32, #tpu.memory_space<vmem>>) target(%dma_start3A_44 : memref<2000x16xf32, #tpu.memory_space<hbm>>) target_semaphore(%run_scoped3A : memref<!tpu.dma_semaphore, #tpu.memory_space<semaphore_mem>>)
      %dma_wait3A_45 = arith.constant 0 : i32
      %dma_wait3A_46 = tpu.memref_slice %arg4[%add3A_18, %dma_wait3A_45] : memref<320000x16xf32, #tpu.memory_space<hbm>> -> memref<2000x16xf32, #tpu.memory_space<hbm>>
      %dma_wait3A_47 = arith.constant 0 : i32
      %dma_wait3A_48 = tpu.memref_slice %arg4[%add3A_18, %dma_wait3A_47] : memref<320000x16xf32, #tpu.memory_space<hbm>> -> memref<2000x16xf32, #tpu.memory_space<hbm>>
      tpu.wait_dma2 semaphore(%run_scoped3A : memref<!tpu.dma_semaphore, #tpu.memory_space<semaphore_mem>>) src(%arg6 : memref<2000x16xf32, #tpu.memory_space<vmem>>) dst(%dma_wait3A_48 : memref<2000x16xf32, #tpu.memory_space<hbm>>)
      tpu.yield
    }) : () -> ()
    %add3A_25 = arith.constant 6000 : i32
    %add3A_26 = arith.addi %mul3A_2, %add3A_25 : i32
    "tpu.region"() ({
      %run_scoped3A = tpu.sem_alloc : memref<!tpu.dma_semaphore, #tpu.memory_space<semaphore_mem>>
      %dma_start3A_41 = tpu.memref_slice %arg3[%add3A_26] : memref<320000xi32, #tpu.memory_space<hbm>> -> memref<2000xi32, #tpu.memory_space<hbm>>
      %dma_start3A_42 = tpu.memref_slice %arg3[%add3A_26] : memref<320000xi32, #tpu.memory_space<hbm>> -> memref<2000xi32, #tpu.memory_space<hbm>>
      tpu.enqueue_dma source(%dma_start3A_42 : memref<2000xi32, #tpu.memory_space<hbm>>) target(%arg5 : memref<2000xi32, #tpu.memory_space<vmem>>) target_semaphore(%run_scoped3A : memref<!tpu.dma_semaphore, #tpu.memory_space<semaphore_mem>>)
      %dma_wait3A_43 = tpu.memref_slice %arg3[%add3A_26] : memref<320000xi32, #tpu.memory_space<hbm>> -> memref<2000xi32, #tpu.memory_space<hbm>>
      %dma_wait3A_44 = tpu.memref_slice %arg3[%add3A_26] : memref<320000xi32, #tpu.memory_space<hbm>> -> memref<2000xi32, #tpu.memory_space<hbm>>
      tpu.wait_dma2 semaphore(%run_scoped3A : memref<!tpu.dma_semaphore, #tpu.memory_space<semaphore_mem>>) src(%dma_wait3A_44 : memref<2000xi32, #tpu.memory_space<hbm>>) dst(%arg5 : memref<2000xi32, #tpu.memory_space<vmem>>)
      tpu.yield
    }) : () -> ()
    %dma_start3A_27 = arith.constant 0 : i32
    %dma_start3A_28 = arith.constant 0 : i32
    %dma_start3A_29 = tpu.memref_slice %arg2[%dma_start3A_27, %dma_start3A_28] : memref<10000x16xf32, #tpu.memory_space<hbm>> -> memref<10000x16xf32, #tpu.memory_space<hbm>>
    tpu.enqueue_indirect_dma source(%dma_start3A_29 : memref<10000x16xf32, #tpu.memory_space<hbm>>) target(%arg6 : memref<2000x16xf32, #tpu.memory_space<vmem>>) offsets(%arg5 : memref<2000xi32, #tpu.memory_space<vmem>>) semaphore(%arg7 : memref<!tpu.dma_semaphore, #tpu.memory_space<semaphore_mem>>)
    %dma_wait3A_30 = arith.constant 0 : i32
    %dma_wait3A_31 = arith.constant 0 : i32
    %dma_wait3A_32 = tpu.memref_slice %arg2[%dma_wait3A_30, %dma_wait3A_31] : memref<10000x16xf32, #tpu.memory_space<hbm>> -> memref<10000x16xf32, #tpu.memory_space<hbm>>
    tpu.wait_indirect_dma semaphore(%arg7 : memref<!tpu.dma_semaphore, #tpu.memory_space<semaphore_mem>>) src(%dma_wait3A_32 : memref<10000x16xf32, #tpu.memory_space<hbm>>) dst(%arg6 : memref<2000x16xf32, #tpu.memory_space<vmem>>)
    "tpu.region"() ({
      %run_scoped3A = tpu.sem_alloc : memref<!tpu.dma_semaphore, #tpu.memory_space<semaphore_mem>>
      %dma_start3A_41 = arith.constant 0 : i32
      %dma_start3A_42 = tpu.memref_slice %arg4[%add3A_26, %dma_start3A_41] : memref<320000x16xf32, #tpu.memory_space<hbm>> -> memref<2000x16xf32, #tpu.memory_space<hbm>>
      %dma_start3A_43 = arith.constant 0 : i32
      %dma_start3A_44 = tpu.memref_slice %arg4[%add3A_26, %dma_start3A_43] : memref<320000x16xf32, #tpu.memory_space<hbm>> -> memref<2000x16xf32, #tpu.memory_space<hbm>>
      tpu.enqueue_dma source(%arg6 : memref<2000x16xf32, #tpu.memory_space<vmem>>) target(%dma_start3A_44 : memref<2000x16xf32, #tpu.memory_space<hbm>>) target_semaphore(%run_scoped3A : memref<!tpu.dma_semaphore, #tpu.memory_space<semaphore_mem>>)
      %dma_wait3A_45 = arith.constant 0 : i32
      %dma_wait3A_46 = tpu.memref_slice %arg4[%add3A_26, %dma_wait3A_45] : memref<320000x16xf32, #tpu.memory_space<hbm>> -> memref<2000x16xf32, #tpu.memory_space<hbm>>
      %dma_wait3A_47 = arith.constant 0 : i32
      %dma_wait3A_48 = tpu.memref_slice %arg4[%add3A_26, %dma_wait3A_47] : memref<320000x16xf32, #tpu.memory_space<hbm>> -> memref<2000x16xf32, #tpu.memory_space<hbm>>
      tpu.wait_dma2 semaphore(%run_scoped3A : memref<!tpu.dma_semaphore, #tpu.memory_space<semaphore_mem>>) src(%arg6 : memref<2000x16xf32, #tpu.memory_space<vmem>>) dst(%dma_wait3A_48 : memref<2000x16xf32, #tpu.memory_space<hbm>>)
      tpu.yield
    }) : () -> ()
    %add3A_33 = arith.constant 8000 : i32
    %add3A_34 = arith.addi %mul3A_2, %add3A_33 : i32
    "tpu.region"() ({
      %run_scoped3A = tpu.sem_alloc : memref<!tpu.dma_semaphore, #tpu.memory_space<semaphore_mem>>
      %dma_start3A_41 = tpu.memref_slice %arg3[%add3A_34] : memref<320000xi32, #tpu.memory_space<hbm>> -> memref<2000xi32, #tpu.memory_space<hbm>>
      %dma_start3A_42 = tpu.memref_slice %arg3[%add3A_34] : memref<320000xi32, #tpu.memory_space<hbm>> -> memref<2000xi32, #tpu.memory_space<hbm>>
      tpu.enqueue_dma source(%dma_start3A_42 : memref<2000xi32, #tpu.memory_space<hbm>>) target(%arg5 : memref<2000xi32, #tpu.memory_space<vmem>>) target_semaphore(%run_scoped3A : memref<!tpu.dma_semaphore, #tpu.memory_space<semaphore_mem>>)
      %dma_wait3A_43 = tpu.memref_slice %arg3[%add3A_34] : memref<320000xi32, #tpu.memory_space<hbm>> -> memref<2000xi32, #tpu.memory_space<hbm>>
      %dma_wait3A_44 = tpu.memref_slice %arg3[%add3A_34] : memref<320000xi32, #tpu.memory_space<hbm>> -> memref<2000xi32, #tpu.memory_space<hbm>>
      tpu.wait_dma2 semaphore(%run_scoped3A : memref<!tpu.dma_semaphore, #tpu.memory_space<semaphore_mem>>) src(%dma_wait3A_44 : memref<2000xi32, #tpu.memory_space<hbm>>) dst(%arg5 : memref<2000xi32, #tpu.memory_space<vmem>>)
      tpu.yield
    }) : () -> ()
    %dma_start3A_35 = arith.constant 0 : i32
    %dma_start3A_36 = arith.constant 0 : i32
    %dma_start3A_37 = tpu.memref_slice %arg2[%dma_start3A_35, %dma_start3A_36] : memref<10000x16xf32, #tpu.memory_space<hbm>> -> memref<10000x16xf32, #tpu.memory_space<hbm>>
    tpu.enqueue_indirect_dma source(%dma_start3A_37 : memref<10000x16xf32, #tpu.memory_space<hbm>>) target(%arg6 : memref<2000x16xf32, #tpu.memory_space<vmem>>) offsets(%arg5 : memref<2000xi32, #tpu.memory_space<vmem>>) semaphore(%arg7 : memref<!tpu.dma_semaphore, #tpu.memory_space<semaphore_mem>>)
    %dma_wait3A_38 = arith.constant 0 : i32
    %dma_wait3A_39 = arith.constant 0 : i32
    %dma_wait3A_40 = tpu.memref_slice %arg2[%dma_wait3A_38, %dma_wait3A_39] : memref<10000x16xf32, #tpu.memory_space<hbm>> -> memref<10000x16xf32, #tpu.memory_space<hbm>>
    tpu.wait_indirect_dma semaphore(%arg7 : memref<!tpu.dma_semaphore, #tpu.memory_space<semaphore_mem>>) src(%dma_wait3A_40 : memref<10000x16xf32, #tpu.memory_space<hbm>>) dst(%arg6 : memref<2000x16xf32, #tpu.memory_space<vmem>>)
    "tpu.region"() ({
      %run_scoped3A = tpu.sem_alloc : memref<!tpu.dma_semaphore, #tpu.memory_space<semaphore_mem>>
      %dma_start3A_41 = arith.constant 0 : i32
      %dma_start3A_42 = tpu.memref_slice %arg4[%add3A_34, %dma_start3A_41] : memref<320000x16xf32, #tpu.memory_space<hbm>> -> memref<2000x16xf32, #tpu.memory_space<hbm>>
      %dma_start3A_43 = arith.constant 0 : i32
      %dma_start3A_44 = tpu.memref_slice %arg4[%add3A_34, %dma_start3A_43] : memref<320000x16xf32, #tpu.memory_space<hbm>> -> memref<2000x16xf32, #tpu.memory_space<hbm>>
      tpu.enqueue_dma source(%arg6 : memref<2000x16xf32, #tpu.memory_space<vmem>>) target(%dma_start3A_44 : memref<2000x16xf32, #tpu.memory_space<hbm>>) target_semaphore(%run_scoped3A : memref<!tpu.dma_semaphore, #tpu.memory_space<semaphore_mem>>)
      %dma_wait3A_45 = arith.constant 0 : i32
      %dma_wait3A_46 = tpu.memref_slice %arg4[%add3A_34, %dma_wait3A_45] : memref<320000x16xf32, #tpu.memory_space<hbm>> -> memref<2000x16xf32, #tpu.memory_space<hbm>>
      %dma_wait3A_47 = arith.constant 0 : i32
      %dma_wait3A_48 = tpu.memref_slice %arg4[%add3A_34, %dma_wait3A_47] : memref<320000x16xf32, #tpu.memory_space<hbm>> -> memref<2000x16xf32, #tpu.memory_space<hbm>>
      tpu.wait_dma2 semaphore(%run_scoped3A : memref<!tpu.dma_semaphore, #tpu.memory_space<semaphore_mem>>) src(%arg6 : memref<2000x16xf32, #tpu.memory_space<vmem>>) dst(%dma_wait3A_48 : memref<2000x16xf32, #tpu.memory_space<hbm>>)
      tpu.yield
    }) : () -> ()
    return
  }
}

module attributes {stable_mosaic.version = 14 : i64} {
  func.func @_dense_body(%arg0: i32, %arg1: memref<80x16xf32, #tpu.memory_space<vmem>>, %arg2: memref<2560x16xf32, #tpu.memory_space<vmem>>, %arg3: memref<16x64xf32, #tpu.memory_space<vmem>>, %arg4: memref<64x64xf32, #tpu.memory_space<vmem>>, %arg5: memref<8x64xf32, #tpu.memory_space<vmem>>, %arg6: memref<2560x128xf32, #tpu.memory_space<vmem>>) attributes {dimension_semantics = [#tpu.dimension_semantics<arbitrary>], iteration_bounds = array<i64: 125>, scalar_prefetch = 0 : i64, scratch_operands = 0 : i64, tpu.core_type = #tpu.core_type<tc>, window_params = [{transform_indices = @transform_0, window_bounds = array<i64: 80, 16>}, {transform_indices = @transform_1, window_bounds = array<i64: 2560, 16>}, {pipeline_mode = #tpu.pipeline_mode<synchronous>, transform_indices = @transform_2, window_bounds = array<i64: 16, 64>}, {pipeline_mode = #tpu.pipeline_mode<synchronous>, transform_indices = @transform_3, window_bounds = array<i64: 64, 64>}, {pipeline_mode = #tpu.pipeline_mode<synchronous>, transform_indices = @transform_4, window_bounds = array<i64: 8, 64>}, {transform_indices = @transform_5, window_bounds = array<i64: 2560, 128>}]} {
    %get3A = arith.constant 0 : index
    %get3A_0 = arith.constant 0 : index
    %get3A_1 = vector.load %arg1[%get3A, %get3A_0] : memref<80x16xf32, #tpu.memory_space<vmem>>, vector<80x16xf32>
    %get3A_2 = arith.constant 0 : index
    %get3A_3 = arith.constant 0 : index
    %get3A_4 = vector.load %arg2[%get3A_2, %get3A_3] : memref<2560x16xf32, #tpu.memory_space<vmem>>, vector<2560x16xf32>
    %slice3A = vector.extract_strided_slice %get3A_1 {offsets = [0, 0], sizes = [80, 3], strides = [1, 1]} : vector<80x16xf32> to vector<80x3xf32>
    %slice3A_5 = vector.extract_strided_slice %get3A_1 {offsets = [0, 3], sizes = [80, 3], strides = [1, 1]} : vector<80x16xf32> to vector<80x3xf32>
    %slice3A_6 = vector.extract_strided_slice %get3A_1 {offsets = [0, 6], sizes = [80, 3], strides = [1, 1]} : vector<80x16xf32> to vector<80x3xf32>
    %sub3A = arith.subf %slice3A, %slice3A_5 : vector<80x3xf32>
    %mul3A = arith.mulf %sub3A, %sub3A : vector<80x3xf32>
    %reduce_sum3A = arith.constant dense<0.000000e+00> : vector<80xf32>
    %reduce_sum3A_7 = vector.multi_reduction <add>, %mul3A, %reduce_sum3A [1] : vector<80x3xf32> to vector<80xf32>
    %broadcast_in_dim3A = vector.shape_cast %reduce_sum3A_7 : vector<80xf32> to vector<80x1xf32>
    %add3A = arith.constant 1.000000e-03 : f32
    %add3A_8 = vector.broadcast %add3A : f32 to vector<80x1xf32>
    %add3A_9 = arith.addf %broadcast_in_dim3A, %add3A_8 : vector<80x1xf32>
    %sqrt3A = math.sqrt %add3A_9 : vector<80x1xf32>
    %div3A = vector.broadcast %sqrt3A : vector<80x1xf32> to vector<80x3xf32>
    %div3A_10 = arith.divf %sub3A, %div3A : vector<80x3xf32>
    %sub3A_11 = arith.subf %slice3A_6, %slice3A_5 : vector<80x3xf32>
    %mul3A_12 = arith.mulf %sub3A_11, %sub3A_11 : vector<80x3xf32>
    %reduce_sum3A_13 = arith.constant dense<0.000000e+00> : vector<80xf32>
    %reduce_sum3A_14 = vector.multi_reduction <add>, %mul3A_12, %reduce_sum3A_13 [1] : vector<80x3xf32> to vector<80xf32>
    %broadcast_in_dim3A_15 = vector.shape_cast %reduce_sum3A_14 : vector<80xf32> to vector<80x1xf32>
    %add3A_16 = arith.constant 1.000000e-03 : f32
    %add3A_17 = vector.broadcast %add3A_16 : f32 to vector<80x1xf32>
    %add3A_18 = arith.addf %broadcast_in_dim3A_15, %add3A_17 : vector<80x1xf32>
    %sqrt3A_19 = math.sqrt %add3A_18 : vector<80x1xf32>
    %div3A_20 = vector.broadcast %sqrt3A_19 : vector<80x1xf32> to vector<80x3xf32>
    %div3A_21 = arith.divf %sub3A_11, %div3A_20 : vector<80x3xf32>
    %slice3A_22 = vector.extract_strided_slice %div3A_10 {offsets = [0, 0], sizes = [80, 1], strides = [1, 1]} : vector<80x3xf32> to vector<80x1xf32>
    %slice3A_23 = vector.extract_strided_slice %div3A_10 {offsets = [0, 1], sizes = [80, 1], strides = [1, 1]} : vector<80x3xf32> to vector<80x1xf32>
    %slice3A_24 = vector.extract_strided_slice %div3A_10 {offsets = [0, 2], sizes = [80, 1], strides = [1, 1]} : vector<80x3xf32> to vector<80x1xf32>
    %slice3A_25 = vector.extract_strided_slice %div3A_21 {offsets = [0, 0], sizes = [80, 1], strides = [1, 1]} : vector<80x3xf32> to vector<80x1xf32>
    %slice3A_26 = vector.extract_strided_slice %div3A_21 {offsets = [0, 1], sizes = [80, 1], strides = [1, 1]} : vector<80x3xf32> to vector<80x1xf32>
    %slice3A_27 = vector.extract_strided_slice %div3A_21 {offsets = [0, 2], sizes = [80, 1], strides = [1, 1]} : vector<80x3xf32> to vector<80x1xf32>
    %mul3A_28 = arith.mulf %slice3A_23, %slice3A_27 : vector<80x1xf32>
    %mul3A_29 = arith.mulf %slice3A_24, %slice3A_26 : vector<80x1xf32>
    %sub3A_30 = arith.subf %mul3A_28, %mul3A_29 : vector<80x1xf32>
    %mul3A_31 = arith.mulf %slice3A_24, %slice3A_25 : vector<80x1xf32>
    %mul3A_32 = arith.mulf %slice3A_22, %slice3A_27 : vector<80x1xf32>
    %sub3A_33 = arith.subf %mul3A_31, %mul3A_32 : vector<80x1xf32>
    %mul3A_34 = arith.mulf %slice3A_22, %slice3A_26 : vector<80x1xf32>
    %mul3A_35 = arith.mulf %slice3A_23, %slice3A_25 : vector<80x1xf32>
    %sub3A_36 = arith.subf %mul3A_34, %mul3A_35 : vector<80x1xf32>
    %concatenate3A = tpu.concatenate %sub3A_30, %sub3A_33, %sub3A_36 in 1 : vector<80x1xf32>, vector<80x1xf32>, vector<80x1xf32> -> vector<80x3xf32>
    %mul3A_37 = arith.mulf %concatenate3A, %concatenate3A : vector<80x3xf32>
    %reduce_sum3A_38 = arith.constant dense<0.000000e+00> : vector<80xf32>
    %reduce_sum3A_39 = vector.multi_reduction <add>, %mul3A_37, %reduce_sum3A_38 [1] : vector<80x3xf32> to vector<80xf32>
    %broadcast_in_dim3A_40 = vector.shape_cast %reduce_sum3A_39 : vector<80xf32> to vector<80x1xf32>
    %add3A_41 = arith.constant 1.000000e-03 : f32
    %add3A_42 = vector.broadcast %add3A_41 : f32 to vector<80x1xf32>
    %add3A_43 = arith.addf %broadcast_in_dim3A_40, %add3A_42 : vector<80x1xf32>
    %sqrt3A_44 = math.sqrt %add3A_43 : vector<80x1xf32>
    %div3A_45 = vector.broadcast %sqrt3A_44 : vector<80x1xf32> to vector<80x3xf32>
    %div3A_46 = arith.divf %concatenate3A, %div3A_45 : vector<80x3xf32>
    %slice3A_47 = vector.extract_strided_slice %div3A_10 {offsets = [0, 0], sizes = [80, 1], strides = [1, 1]} : vector<80x3xf32> to vector<80x1xf32>
    %slice3A_48 = vector.extract_strided_slice %div3A_10 {offsets = [0, 1], sizes = [80, 1], strides = [1, 1]} : vector<80x3xf32> to vector<80x1xf32>
    %slice3A_49 = vector.extract_strided_slice %div3A_10 {offsets = [0, 2], sizes = [80, 1], strides = [1, 1]} : vector<80x3xf32> to vector<80x1xf32>
    %slice3A_50 = vector.extract_strided_slice %div3A_46 {offsets = [0, 0], sizes = [80, 1], strides = [1, 1]} : vector<80x3xf32> to vector<80x1xf32>
    %slice3A_51 = vector.extract_strided_slice %div3A_46 {offsets = [0, 1], sizes = [80, 1], strides = [1, 1]} : vector<80x3xf32> to vector<80x1xf32>
    %slice3A_52 = vector.extract_strided_slice %div3A_46 {offsets = [0, 2], sizes = [80, 1], strides = [1, 1]} : vector<80x3xf32> to vector<80x1xf32>
    %mul3A_53 = arith.mulf %slice3A_48, %slice3A_52 : vector<80x1xf32>
    %mul3A_54 = arith.mulf %slice3A_49, %slice3A_51 : vector<80x1xf32>
    %sub3A_55 = arith.subf %mul3A_53, %mul3A_54 : vector<80x1xf32>
    %mul3A_56 = arith.mulf %slice3A_49, %slice3A_50 : vector<80x1xf32>
    %mul3A_57 = arith.mulf %slice3A_47, %slice3A_52 : vector<80x1xf32>
    %sub3A_58 = arith.subf %mul3A_56, %mul3A_57 : vector<80x1xf32>
    %mul3A_59 = arith.mulf %slice3A_47, %slice3A_51 : vector<80x1xf32>
    %mul3A_60 = arith.mulf %slice3A_48, %slice3A_50 : vector<80x1xf32>
    %sub3A_61 = arith.subf %mul3A_59, %mul3A_60 : vector<80x1xf32>
    %concatenate3A_62 = tpu.concatenate %sub3A_55, %sub3A_58, %sub3A_61 in 1 : vector<80x1xf32>, vector<80x1xf32>, vector<80x1xf32> -> vector<80x3xf32>
    %mul3A_63 = arith.mulf %concatenate3A_62, %concatenate3A_62 : vector<80x3xf32>
    %reduce_sum3A_64 = arith.constant dense<0.000000e+00> : vector<80xf32>
    %reduce_sum3A_65 = vector.multi_reduction <add>, %mul3A_63, %reduce_sum3A_64 [1] : vector<80x3xf32> to vector<80xf32>
    %broadcast_in_dim3A_66 = vector.shape_cast %reduce_sum3A_65 : vector<80xf32> to vector<80x1xf32>
    %add3A_67 = arith.constant 1.000000e-03 : f32
    %add3A_68 = vector.broadcast %add3A_67 : f32 to vector<80x1xf32>
    %add3A_69 = arith.addf %broadcast_in_dim3A_66, %add3A_68 : vector<80x1xf32>
    %sqrt3A_70 = math.sqrt %add3A_69 : vector<80x1xf32>
    %div3A_71 = vector.broadcast %sqrt3A_70 : vector<80x1xf32> to vector<80x3xf32>
    %div3A_72 = arith.divf %concatenate3A_62, %div3A_71 : vector<80x3xf32>
    %slice3A_73 = vector.extract_strided_slice %get3A_1 {offsets = [0, 0], sizes = [80, 12], strides = [1, 1]} : vector<80x16xf32> to vector<80x12xf32>
    %concatenate3A_74 = tpu.concatenate %slice3A_73, %div3A_10, %div3A_46, %div3A_72 in 1 : vector<80x12xf32>, vector<80x3xf32>, vector<80x3xf32>, vector<80x3xf32> -> vector<80x21xf32>
    %broadcast_in_dim3A_75 = vector.shape_cast %concatenate3A_74 : vector<80x21xf32> to vector<80x1x21xf32>
    %broadcast_in_dim3A_76 = vector.shape_cast %broadcast_in_dim3A_75 : vector<80x1x21xf32> to vector<80x1x21xf32>
    %broadcast_in_dim3A_77 = vector.broadcast %broadcast_in_dim3A_76 : vector<80x1x21xf32> to vector<80x32x21xf32>
    %reshape3A = vector.shape_cast %broadcast_in_dim3A_77 : vector<80x32x21xf32> to vector<2560x21xf32>
    %slice3A_78 = vector.extract_strided_slice %reshape3A {offsets = [0, 0], sizes = [2560, 12], strides = [1, 1]} : vector<2560x21xf32> to vector<2560x12xf32>
    %slice3A_79 = vector.extract_strided_slice %reshape3A {offsets = [0, 12], sizes = [2560, 3], strides = [1, 1]} : vector<2560x21xf32> to vector<2560x3xf32>
    %slice3A_80 = vector.extract_strided_slice %reshape3A {offsets = [0, 15], sizes = [2560, 3], strides = [1, 1]} : vector<2560x21xf32> to vector<2560x3xf32>
    %slice3A_81 = vector.extract_strided_slice %reshape3A {offsets = [0, 18], sizes = [2560, 3], strides = [1, 1]} : vector<2560x21xf32> to vector<2560x3xf32>
    %slice3A_82 = vector.extract_strided_slice %get3A_4 {offsets = [0, 3], sizes = [2560, 3], strides = [1, 1]} : vector<2560x16xf32> to vector<2560x3xf32>
    %slice3A_83 = vector.extract_strided_slice %reshape3A {offsets = [0, 3], sizes = [2560, 3], strides = [1, 1]} : vector<2560x21xf32> to vector<2560x3xf32>
    %sub3A_84 = arith.subf %slice3A_82, %slice3A_83 : vector<2560x3xf32>
    %convert_element_type3A = arith.truncf %sub3A_84 : vector<2560x3xf32> to vector<2560x3xbf16>
    %convert_element_type3A_85 = arith.extf %convert_element_type3A : vector<2560x3xbf16> to vector<2560x3xf32>
    %convert_element_type3A_86 = arith.truncf %slice3A_79 : vector<2560x3xf32> to vector<2560x3xbf16>
    %convert_element_type3A_87 = arith.extf %convert_element_type3A_86 : vector<2560x3xbf16> to vector<2560x3xf32>
    %mul3A_88 = arith.mulf %convert_element_type3A_87, %convert_element_type3A_85 : vector<2560x3xf32>
    %reduce_sum3A_89 = arith.constant dense<0.000000e+00> : vector<2560xf32>
    %reduce_sum3A_90 = vector.multi_reduction <add>, %mul3A_88, %reduce_sum3A_89 [1] : vector<2560x3xf32> to vector<2560xf32>
    %broadcast_in_dim3A_91 = vector.shape_cast %reduce_sum3A_90 : vector<2560xf32> to vector<2560x1xf32>
    %convert_element_type3A_92 = arith.truncf %slice3A_80 : vector<2560x3xf32> to vector<2560x3xbf16>
    %convert_element_type3A_93 = arith.extf %convert_element_type3A_92 : vector<2560x3xbf16> to vector<2560x3xf32>
    %mul3A_94 = arith.mulf %convert_element_type3A_93, %convert_element_type3A_85 : vector<2560x3xf32>
    %reduce_sum3A_95 = arith.constant dense<0.000000e+00> : vector<2560xf32>
    %reduce_sum3A_96 = vector.multi_reduction <add>, %mul3A_94, %reduce_sum3A_95 [1] : vector<2560x3xf32> to vector<2560xf32>
    %broadcast_in_dim3A_97 = vector.shape_cast %reduce_sum3A_96 : vector<2560xf32> to vector<2560x1xf32>
    %convert_element_type3A_98 = arith.truncf %slice3A_81 : vector<2560x3xf32> to vector<2560x3xbf16>
    %convert_element_type3A_99 = arith.extf %convert_element_type3A_98 : vector<2560x3xbf16> to vector<2560x3xf32>
    %mul3A_100 = arith.mulf %convert_element_type3A_99, %convert_element_type3A_85 : vector<2560x3xf32>
    %reduce_sum3A_101 = arith.constant dense<0.000000e+00> : vector<2560xf32>
    %reduce_sum3A_102 = vector.multi_reduction <add>, %mul3A_100, %reduce_sum3A_101 [1] : vector<2560x3xf32> to vector<2560xf32>
    %broadcast_in_dim3A_103 = vector.shape_cast %reduce_sum3A_102 : vector<2560xf32> to vector<2560x1xf32>
    %broadcast_in_dim3A_104 = arith.constant 0.000000e+00 : f32
    %broadcast_in_dim3A_105 = vector.broadcast %broadcast_in_dim3A_104 : f32 to vector<2560x13xf32>
    %concatenate3A_106 = tpu.concatenate %broadcast_in_dim3A_91, %broadcast_in_dim3A_97, %broadcast_in_dim3A_103, %broadcast_in_dim3A_105 in 1 : vector<2560x1xf32>, vector<2560x1xf32>, vector<2560x1xf32>, vector<2560x13xf32> -> vector<2560x16xf32>
    %get3A_107 = arith.constant 0 : index
    %get3A_108 = arith.constant 0 : index
    %get3A_109 = vector.load %arg3[%get3A_107, %get3A_108] : memref<16x64xf32, #tpu.memory_space<vmem>>, vector<16x64xf32>
    %dot_general3A = arith.constant dense<0.000000e+00> : vector<2560x64xf32>
    %dot_general3A_110 = tpu.matmul %concatenate3A_106, %get3A_109, %dot_general3A {dimension_numbers = #tpu.dot_dimension_numbers<[1], [0], [0], [1], [0, 0, 1, 1], [], []>, transpose_lhs_hint = false} : vector<2560x16xf32>, vector<16x64xf32>, vector<2560x64xf32> -> vector<2560x64xf32>
    %slice3A_111 = vector.extract_strided_slice %slice3A_78 {offsets = [0, 0], sizes = [2560, 1], strides = [1, 1]} : vector<2560x12xf32> to vector<2560x1xf32>
    %slice3A_112 = vector.extract_strided_slice %slice3A_78 {offsets = [0, 3], sizes = [2560, 1], strides = [1, 1]} : vector<2560x12xf32> to vector<2560x1xf32>
    %slice3A_113 = vector.extract_strided_slice %slice3A_78 {offsets = [0, 6], sizes = [2560, 1], strides = [1, 1]} : vector<2560x12xf32> to vector<2560x1xf32>
    %slice3A_114 = vector.extract_strided_slice %slice3A_78 {offsets = [0, 9], sizes = [2560, 1], strides = [1, 1]} : vector<2560x12xf32> to vector<2560x1xf32>
    %slice3A_115 = vector.extract_strided_slice %get3A_4 {offsets = [0, 0], sizes = [2560, 1], strides = [1, 1]} : vector<2560x16xf32> to vector<2560x1xf32>
    %slice3A_116 = vector.extract_strided_slice %get3A_4 {offsets = [0, 3], sizes = [2560, 1], strides = [1, 1]} : vector<2560x16xf32> to vector<2560x1xf32>
    %slice3A_117 = vector.extract_strided_slice %get3A_4 {offsets = [0, 6], sizes = [2560, 1], strides = [1, 1]} : vector<2560x16xf32> to vector<2560x1xf32>
    %slice3A_118 = vector.extract_strided_slice %get3A_4 {offsets = [0, 9], sizes = [2560, 1], strides = [1, 1]} : vector<2560x16xf32> to vector<2560x1xf32>
    %concatenate3A_119 = tpu.concatenate %slice3A_111, %slice3A_112, %slice3A_113, %slice3A_114, %slice3A_115, %slice3A_116, %slice3A_117, %slice3A_118 in 1 : vector<2560x1xf32>, vector<2560x1xf32>, vector<2560x1xf32>, vector<2560x1xf32>, vector<2560x1xf32>, vector<2560x1xf32>, vector<2560x1xf32>, vector<2560x1xf32> -> vector<2560x8xf32>
    %slice3A_120 = vector.extract_strided_slice %slice3A_78 {offsets = [0, 1], sizes = [2560, 1], strides = [1, 1]} : vector<2560x12xf32> to vector<2560x1xf32>
    %slice3A_121 = vector.extract_strided_slice %slice3A_78 {offsets = [0, 4], sizes = [2560, 1], strides = [1, 1]} : vector<2560x12xf32> to vector<2560x1xf32>
    %slice3A_122 = vector.extract_strided_slice %slice3A_78 {offsets = [0, 7], sizes = [2560, 1], strides = [1, 1]} : vector<2560x12xf32> to vector<2560x1xf32>
    %slice3A_123 = vector.extract_strided_slice %slice3A_78 {offsets = [0, 10], sizes = [2560, 1], strides = [1, 1]} : vector<2560x12xf32> to vector<2560x1xf32>
    %slice3A_124 = vector.extract_strided_slice %get3A_4 {offsets = [0, 1], sizes = [2560, 1], strides = [1, 1]} : vector<2560x16xf32> to vector<2560x1xf32>
    %slice3A_125 = vector.extract_strided_slice %get3A_4 {offsets = [0, 4], sizes = [2560, 1], strides = [1, 1]} : vector<2560x16xf32> to vector<2560x1xf32>
    %slice3A_126 = vector.extract_strided_slice %get3A_4 {offsets = [0, 7], sizes = [2560, 1], strides = [1, 1]} : vector<2560x16xf32> to vector<2560x1xf32>
    %slice3A_127 = vector.extract_strided_slice %get3A_4 {offsets = [0, 10], sizes = [2560, 1], strides = [1, 1]} : vector<2560x16xf32> to vector<2560x1xf32>
    %concatenate3A_128 = tpu.concatenate %slice3A_120, %slice3A_121, %slice3A_122, %slice3A_123, %slice3A_124, %slice3A_125, %slice3A_126, %slice3A_127 in 1 : vector<2560x1xf32>, vector<2560x1xf32>, vector<2560x1xf32>, vector<2560x1xf32>, vector<2560x1xf32>, vector<2560x1xf32>, vector<2560x1xf32>, vector<2560x1xf32> -> vector<2560x8xf32>
    %slice3A_129 = vector.extract_strided_slice %slice3A_78 {offsets = [0, 2], sizes = [2560, 1], strides = [1, 1]} : vector<2560x12xf32> to vector<2560x1xf32>
    %slice3A_130 = vector.extract_strided_slice %slice3A_78 {offsets = [0, 5], sizes = [2560, 1], strides = [1, 1]} : vector<2560x12xf32> to vector<2560x1xf32>
    %slice3A_131 = vector.extract_strided_slice %slice3A_78 {offsets = [0, 8], sizes = [2560, 1], strides = [1, 1]} : vector<2560x12xf32> to vector<2560x1xf32>
    %slice3A_132 = vector.extract_strided_slice %slice3A_78 {offsets = [0, 11], sizes = [2560, 1], strides = [1, 1]} : vector<2560x12xf32> to vector<2560x1xf32>
    %slice3A_133 = vector.extract_strided_slice %get3A_4 {offsets = [0, 2], sizes = [2560, 1], strides = [1, 1]} : vector<2560x16xf32> to vector<2560x1xf32>
    %slice3A_134 = vector.extract_strided_slice %get3A_4 {offsets = [0, 5], sizes = [2560, 1], strides = [1, 1]} : vector<2560x16xf32> to vector<2560x1xf32>
    %slice3A_135 = vector.extract_strided_slice %get3A_4 {offsets = [0, 8], sizes = [2560, 1], strides = [1, 1]} : vector<2560x16xf32> to vector<2560x1xf32>
    %slice3A_136 = vector.extract_strided_slice %get3A_4 {offsets = [0, 11], sizes = [2560, 1], strides = [1, 1]} : vector<2560x16xf32> to vector<2560x1xf32>
    %concatenate3A_137 = tpu.concatenate %slice3A_129, %slice3A_130, %slice3A_131, %slice3A_132, %slice3A_133, %slice3A_134, %slice3A_135, %slice3A_136 in 1 : vector<2560x1xf32>, vector<2560x1xf32>, vector<2560x1xf32>, vector<2560x1xf32>, vector<2560x1xf32>, vector<2560x1xf32>, vector<2560x1xf32>, vector<2560x1xf32> -> vector<2560x8xf32>
    %get3A_138 = arith.constant 0 : index
    %get3A_139 = arith.constant 0 : index
    %get3A_140 = vector.load %arg5[%get3A_138, %get3A_139] : memref<8x64xf32, #tpu.memory_space<vmem>>, vector<8x64xf32>
    %dot_general3A_141 = arith.constant dense<0.000000e+00> : vector<2560x64xf32>
    %dot_general3A_142 = tpu.matmul %concatenate3A_119, %get3A_140, %dot_general3A_141 {dimension_numbers = #tpu.dot_dimension_numbers<[1], [0], [0], [1], [0, 0, 1, 1], [], []>, precision = #tpu.contract_precision<fp32>, transpose_lhs_hint = false} : vector<2560x8xf32>, vector<8x64xf32>, vector<2560x64xf32> -> vector<2560x64xf32>
    %dot_general3A_143 = arith.constant dense<0.000000e+00> : vector<2560x64xf32>
    %dot_general3A_144 = tpu.matmul %concatenate3A_128, %get3A_140, %dot_general3A_143 {dimension_numbers = #tpu.dot_dimension_numbers<[1], [0], [0], [1], [0, 0, 1, 1], [], []>, precision = #tpu.contract_precision<fp32>, transpose_lhs_hint = false} : vector<2560x8xf32>, vector<8x64xf32>, vector<2560x64xf32> -> vector<2560x64xf32>
    %dot_general3A_145 = arith.constant dense<0.000000e+00> : vector<2560x64xf32>
    %dot_general3A_146 = tpu.matmul %concatenate3A_137, %get3A_140, %dot_general3A_145 {dimension_numbers = #tpu.dot_dimension_numbers<[1], [0], [0], [1], [0, 0, 1, 1], [], []>, precision = #tpu.contract_precision<fp32>, transpose_lhs_hint = false} : vector<2560x8xf32>, vector<8x64xf32>, vector<2560x64xf32> -> vector<2560x64xf32>
    %mul3A_147 = arith.mulf %dot_general3A_142, %dot_general3A_142 : vector<2560x64xf32>
    %mul3A_148 = arith.mulf %dot_general3A_144, %dot_general3A_144 : vector<2560x64xf32>
    %add3A_149 = arith.addf %mul3A_147, %mul3A_148 : vector<2560x64xf32>
    %mul3A_150 = arith.mulf %dot_general3A_146, %dot_general3A_146 : vector<2560x64xf32>
    %add3A_151 = arith.addf %add3A_149, %mul3A_150 : vector<2560x64xf32>
    %add3A_152 = arith.constant 1.000000e-03 : f32
    %add3A_153 = vector.broadcast %add3A_152 : f32 to vector<2560x64xf32>
    %add3A_154 = arith.addf %add3A_151, %add3A_153 : vector<2560x64xf32>
    %sqrt3A_155 = math.sqrt %add3A_154 : vector<2560x64xf32>
    %get3A_156 = arith.constant 0 : index
    %get3A_157 = arith.constant 0 : index
    %get3A_158 = vector.load %arg4[%get3A_156, %get3A_157] : memref<64x64xf32, #tpu.memory_space<vmem>>, vector<64x64xf32>
    %dot_general3A_159 = arith.constant dense<0.000000e+00> : vector<2560x64xf32>
    %dot_general3A_160 = tpu.matmul %sqrt3A_155, %get3A_158, %dot_general3A_159 {dimension_numbers = #tpu.dot_dimension_numbers<[1], [0], [0], [1], [0, 0, 1, 1], [], []>, transpose_lhs_hint = false} : vector<2560x64xf32>, vector<64x64xf32>, vector<2560x64xf32> -> vector<2560x64xf32>
    %mul3A_161 = arith.constant 0.636619746 : f32
    %mul3A_162 = vector.broadcast %mul3A_161 : f32 to vector<2560x64xf32>
    %mul3A_163 = arith.mulf %dot_general3A_110, %mul3A_162 : vector<2560x64xf32>
    %round3A = math.roundeven %mul3A_163 : vector<2560x64xf32>
    %convert_element_type3A_164 = arith.fptosi %round3A : vector<2560x64xf32> to vector<2560x64xi32>
    %mul3A_165 = arith.constant 1.5703125 : f32
    %mul3A_166 = vector.broadcast %mul3A_165 : f32 to vector<2560x64xf32>
    %mul3A_167 = arith.mulf %round3A, %mul3A_166 : vector<2560x64xf32>
    %sub3A_168 = arith.subf %dot_general3A_110, %mul3A_167 : vector<2560x64xf32>
    %mul3A_169 = arith.constant 4.83810902E-4 : f32
    %mul3A_170 = vector.broadcast %mul3A_169 : f32 to vector<2560x64xf32>
    %mul3A_171 = arith.mulf %round3A, %mul3A_170 : vector<2560x64xf32>
    %sub3A_172 = arith.subf %sub3A_168, %mul3A_171 : vector<2560x64xf32>
    %mul3A_173 = arith.constant 1.58932547E-8 : f32
    %mul3A_174 = vector.broadcast %mul3A_173 : f32 to vector<2560x64xf32>
    %mul3A_175 = arith.mulf %round3A, %mul3A_174 : vector<2560x64xf32>
    %sub3A_176 = arith.subf %sub3A_172, %mul3A_175 : vector<2560x64xf32>
    %mul3A_177 = arith.mulf %sub3A_176, %sub3A_176 : vector<2560x64xf32>
    %mul3A_178 = arith.constant -1.95152956E-4 : f32
    %mul3A_179 = vector.broadcast %mul3A_178 : f32 to vector<2560x64xf32>
    %mul3A_180 = arith.mulf %mul3A_177, %mul3A_179 : vector<2560x64xf32>
    %add3A_181 = arith.constant 0.00833216123 : f32
    %add3A_182 = vector.broadcast %add3A_181 : f32 to vector<2560x64xf32>
    %add3A_183 = arith.addf %add3A_182, %mul3A_180 : vector<2560x64xf32>
    %mul3A_184 = arith.mulf %mul3A_177, %add3A_183 : vector<2560x64xf32>
    %add3A_185 = arith.constant -0.166666552 : f32
    %add3A_186 = vector.broadcast %add3A_185 : f32 to vector<2560x64xf32>
    %add3A_187 = arith.addf %add3A_186, %mul3A_184 : vector<2560x64xf32>
    %mul3A_188 = arith.mulf %mul3A_177, %add3A_187 : vector<2560x64xf32>
    %add3A_189 = arith.constant 1.000000e+00 : f32
    %add3A_190 = vector.broadcast %add3A_189 : f32 to vector<2560x64xf32>
    %add3A_191 = arith.addf %add3A_190, %mul3A_188 : vector<2560x64xf32>
    %mul3A_192 = arith.mulf %sub3A_176, %add3A_191 : vector<2560x64xf32>
    %mul3A_193 = arith.constant 5.000000e-01 : f32
    %mul3A_194 = vector.broadcast %mul3A_193 : f32 to vector<2560x64xf32>
    %mul3A_195 = arith.mulf %mul3A_194, %mul3A_177 : vector<2560x64xf32>
    %sub3A_196 = arith.constant 1.000000e+00 : f32
    %sub3A_197 = vector.broadcast %sub3A_196 : f32 to vector<2560x64xf32>
    %sub3A_198 = arith.subf %sub3A_197, %mul3A_195 : vector<2560x64xf32>
    %mul3A_199 = arith.mulf %mul3A_177, %mul3A_177 : vector<2560x64xf32>
    %mul3A_200 = arith.constant 2.44331568E-5 : f32
    %mul3A_201 = vector.broadcast %mul3A_200 : f32 to vector<2560x64xf32>
    %mul3A_202 = arith.mulf %mul3A_177, %mul3A_201 : vector<2560x64xf32>
    %add3A_203 = arith.constant -0.00138873165 : f32
    %add3A_204 = vector.broadcast %add3A_203 : f32 to vector<2560x64xf32>
    %add3A_205 = arith.addf %add3A_204, %mul3A_202 : vector<2560x64xf32>
    %mul3A_206 = arith.mulf %mul3A_177, %add3A_205 : vector<2560x64xf32>
    %add3A_207 = arith.constant 0.0416666456 : f32
    %add3A_208 = vector.broadcast %add3A_207 : f32 to vector<2560x64xf32>
    %add3A_209 = arith.addf %add3A_208, %mul3A_206 : vector<2560x64xf32>
    %mul3A_210 = arith.mulf %mul3A_199, %add3A_209 : vector<2560x64xf32>
    %add3A_211 = arith.addf %sub3A_198, %mul3A_210 : vector<2560x64xf32>
    %and3A = arith.constant 1 : i32
    %and3A_212 = vector.broadcast %and3A : i32 to vector<2560x64xi32>
    %and3A_213 = arith.andi %convert_element_type3A_164, %and3A_212 : vector<2560x64xi32>
    %ne3A = arith.constant 0 : i32
    %ne3A_214 = vector.broadcast %ne3A : i32 to vector<2560x64xi32>
    %ne3A_215 = arith.cmpi ne, %and3A_213, %ne3A_214 : vector<2560x64xi32>
    %select_n3A = arith.select %ne3A_215, %add3A_211, %mul3A_192 : vector<2560x64xi1>, vector<2560x64xf32>
    %select_n3A_216 = arith.select %ne3A_215, %mul3A_192, %add3A_211 : vector<2560x64xi1>, vector<2560x64xf32>
    %and3A_217 = arith.constant 2 : i32
    %and3A_218 = vector.broadcast %and3A_217 : i32 to vector<2560x64xi32>
    %and3A_219 = arith.andi %convert_element_type3A_164, %and3A_218 : vector<2560x64xi32>
    %ne3A_220 = arith.constant 0 : i32
    %ne3A_221 = vector.broadcast %ne3A_220 : i32 to vector<2560x64xi32>
    %ne3A_222 = arith.cmpi ne, %and3A_219, %ne3A_221 : vector<2560x64xi32>
    %neg3A = arith.constant 0.000000e+00 : f32
    %neg3A_223 = vector.broadcast %neg3A : f32 to vector<2560x64xf32>
    %neg3A_224 = arith.subf %neg3A_223, %select_n3A : vector<2560x64xf32>
    %select_n3A_225 = arith.select %ne3A_222, %neg3A_224, %select_n3A : vector<2560x64xi1>, vector<2560x64xf32>
    %add3A_226 = arith.constant 1 : i32
    %add3A_227 = vector.broadcast %add3A_226 : i32 to vector<2560x64xi32>
    %add3A_228 = arith.addi %convert_element_type3A_164, %add3A_227 : vector<2560x64xi32>
    %and3A_229 = arith.constant 2 : i32
    %and3A_230 = vector.broadcast %and3A_229 : i32 to vector<2560x64xi32>
    %and3A_231 = arith.andi %add3A_228, %and3A_230 : vector<2560x64xi32>
    %ne3A_232 = arith.constant 0 : i32
    %ne3A_233 = vector.broadcast %ne3A_232 : i32 to vector<2560x64xi32>
    %ne3A_234 = arith.cmpi ne, %and3A_231, %ne3A_233 : vector<2560x64xi32>
    %neg3A_235 = arith.constant 0.000000e+00 : f32
    %neg3A_236 = vector.broadcast %neg3A_235 : f32 to vector<2560x64xf32>
    %neg3A_237 = arith.subf %neg3A_236, %select_n3A_216 : vector<2560x64xf32>
    %select_n3A_238 = arith.select %ne3A_234, %neg3A_237, %select_n3A_216 : vector<2560x64xi1>, vector<2560x64xf32>
    %mul3A_239 = arith.constant 0.636619746 : f32
    %mul3A_240 = vector.broadcast %mul3A_239 : f32 to vector<2560x64xf32>
    %mul3A_241 = arith.mulf %dot_general3A_160, %mul3A_240 : vector<2560x64xf32>
    %round3A_242 = math.roundeven %mul3A_241 : vector<2560x64xf32>
    %convert_element_type3A_243 = arith.fptosi %round3A_242 : vector<2560x64xf32> to vector<2560x64xi32>
    %mul3A_244 = arith.constant 1.5703125 : f32
    %mul3A_245 = vector.broadcast %mul3A_244 : f32 to vector<2560x64xf32>
    %mul3A_246 = arith.mulf %round3A_242, %mul3A_245 : vector<2560x64xf32>
    %sub3A_247 = arith.subf %dot_general3A_160, %mul3A_246 : vector<2560x64xf32>
    %mul3A_248 = arith.constant 4.83810902E-4 : f32
    %mul3A_249 = vector.broadcast %mul3A_248 : f32 to vector<2560x64xf32>
    %mul3A_250 = arith.mulf %round3A_242, %mul3A_249 : vector<2560x64xf32>
    %sub3A_251 = arith.subf %sub3A_247, %mul3A_250 : vector<2560x64xf32>
    %mul3A_252 = arith.constant 1.58932547E-8 : f32
    %mul3A_253 = vector.broadcast %mul3A_252 : f32 to vector<2560x64xf32>
    %mul3A_254 = arith.mulf %round3A_242, %mul3A_253 : vector<2560x64xf32>
    %sub3A_255 = arith.subf %sub3A_251, %mul3A_254 : vector<2560x64xf32>
    %mul3A_256 = arith.mulf %sub3A_255, %sub3A_255 : vector<2560x64xf32>
    %mul3A_257 = arith.constant -1.95152956E-4 : f32
    %mul3A_258 = vector.broadcast %mul3A_257 : f32 to vector<2560x64xf32>
    %mul3A_259 = arith.mulf %mul3A_256, %mul3A_258 : vector<2560x64xf32>
    %add3A_260 = arith.constant 0.00833216123 : f32
    %add3A_261 = vector.broadcast %add3A_260 : f32 to vector<2560x64xf32>
    %add3A_262 = arith.addf %add3A_261, %mul3A_259 : vector<2560x64xf32>
    %mul3A_263 = arith.mulf %mul3A_256, %add3A_262 : vector<2560x64xf32>
    %add3A_264 = arith.constant -0.166666552 : f32
    %add3A_265 = vector.broadcast %add3A_264 : f32 to vector<2560x64xf32>
    %add3A_266 = arith.addf %add3A_265, %mul3A_263 : vector<2560x64xf32>
    %mul3A_267 = arith.mulf %mul3A_256, %add3A_266 : vector<2560x64xf32>
    %add3A_268 = arith.constant 1.000000e+00 : f32
    %add3A_269 = vector.broadcast %add3A_268 : f32 to vector<2560x64xf32>
    %add3A_270 = arith.addf %add3A_269, %mul3A_267 : vector<2560x64xf32>
    %mul3A_271 = arith.mulf %sub3A_255, %add3A_270 : vector<2560x64xf32>
    %mul3A_272 = arith.constant 5.000000e-01 : f32
    %mul3A_273 = vector.broadcast %mul3A_272 : f32 to vector<2560x64xf32>
    %mul3A_274 = arith.mulf %mul3A_273, %mul3A_256 : vector<2560x64xf32>
    %sub3A_275 = arith.constant 1.000000e+00 : f32
    %sub3A_276 = vector.broadcast %sub3A_275 : f32 to vector<2560x64xf32>
    %sub3A_277 = arith.subf %sub3A_276, %mul3A_274 : vector<2560x64xf32>
    %mul3A_278 = arith.mulf %mul3A_256, %mul3A_256 : vector<2560x64xf32>
    %mul3A_279 = arith.constant 2.44331568E-5 : f32
    %mul3A_280 = vector.broadcast %mul3A_279 : f32 to vector<2560x64xf32>
    %mul3A_281 = arith.mulf %mul3A_256, %mul3A_280 : vector<2560x64xf32>
    %add3A_282 = arith.constant -0.00138873165 : f32
    %add3A_283 = vector.broadcast %add3A_282 : f32 to vector<2560x64xf32>
    %add3A_284 = arith.addf %add3A_283, %mul3A_281 : vector<2560x64xf32>
    %mul3A_285 = arith.mulf %mul3A_256, %add3A_284 : vector<2560x64xf32>
    %add3A_286 = arith.constant 0.0416666456 : f32
    %add3A_287 = vector.broadcast %add3A_286 : f32 to vector<2560x64xf32>
    %add3A_288 = arith.addf %add3A_287, %mul3A_285 : vector<2560x64xf32>
    %mul3A_289 = arith.mulf %mul3A_278, %add3A_288 : vector<2560x64xf32>
    %add3A_290 = arith.addf %sub3A_277, %mul3A_289 : vector<2560x64xf32>
    %and3A_291 = arith.constant 1 : i32
    %and3A_292 = vector.broadcast %and3A_291 : i32 to vector<2560x64xi32>
    %and3A_293 = arith.andi %convert_element_type3A_243, %and3A_292 : vector<2560x64xi32>
    %ne3A_294 = arith.constant 0 : i32
    %ne3A_295 = vector.broadcast %ne3A_294 : i32 to vector<2560x64xi32>
    %ne3A_296 = arith.cmpi ne, %and3A_293, %ne3A_295 : vector<2560x64xi32>
    %select_n3A_297 = arith.select %ne3A_296, %add3A_290, %mul3A_271 : vector<2560x64xi1>, vector<2560x64xf32>
    %select_n3A_298 = arith.select %ne3A_296, %mul3A_271, %add3A_290 : vector<2560x64xi1>, vector<2560x64xf32>
    %and3A_299 = arith.constant 2 : i32
    %and3A_300 = vector.broadcast %and3A_299 : i32 to vector<2560x64xi32>
    %and3A_301 = arith.andi %convert_element_type3A_243, %and3A_300 : vector<2560x64xi32>
    %ne3A_302 = arith.constant 0 : i32
    %ne3A_303 = vector.broadcast %ne3A_302 : i32 to vector<2560x64xi32>
    %ne3A_304 = arith.cmpi ne, %and3A_301, %ne3A_303 : vector<2560x64xi32>
    %neg3A_305 = arith.constant 0.000000e+00 : f32
    %neg3A_306 = vector.broadcast %neg3A_305 : f32 to vector<2560x64xf32>
    %neg3A_307 = arith.subf %neg3A_306, %select_n3A_297 : vector<2560x64xf32>
    %select_n3A_308 = arith.select %ne3A_304, %neg3A_307, %select_n3A_297 : vector<2560x64xi1>, vector<2560x64xf32>
    %add3A_309 = arith.constant 1 : i32
    %add3A_310 = vector.broadcast %add3A_309 : i32 to vector<2560x64xi32>
    %add3A_311 = arith.addi %convert_element_type3A_243, %add3A_310 : vector<2560x64xi32>
    %and3A_312 = arith.constant 2 : i32
    %and3A_313 = vector.broadcast %and3A_312 : i32 to vector<2560x64xi32>
    %and3A_314 = arith.andi %add3A_311, %and3A_313 : vector<2560x64xi32>
    %ne3A_315 = arith.constant 0 : i32
    %ne3A_316 = vector.broadcast %ne3A_315 : i32 to vector<2560x64xi32>
    %ne3A_317 = arith.cmpi ne, %and3A_314, %ne3A_316 : vector<2560x64xi32>
    %neg3A_318 = arith.constant 0.000000e+00 : f32
    %neg3A_319 = vector.broadcast %neg3A_318 : f32 to vector<2560x64xf32>
    %neg3A_320 = arith.subf %neg3A_319, %select_n3A_298 : vector<2560x64xf32>
    %select_n3A_321 = arith.select %ne3A_317, %neg3A_320, %select_n3A_298 : vector<2560x64xi1>, vector<2560x64xf32>
    %add3A_322 = arith.addf %select_n3A_238, %select_n3A_321 : vector<2560x64xf32>
    %add3A_323 = arith.addf %select_n3A_225, %select_n3A_308 : vector<2560x64xf32>
    %concatenate3A_324 = tpu.concatenate %add3A_322, %add3A_323 in 1 : vector<2560x64xf32>, vector<2560x64xf32> -> vector<2560x128xf32>
    %swap3A = arith.constant 0 : index
    %swap3A_325 = arith.constant 0 : index
    %swap3A_326 = vector.load %arg6[%swap3A, %swap3A_325] : memref<2560x128xf32, #tpu.memory_space<vmem>>, vector<2560x128xf32>
    tpu.vector_store %arg6[%swap3A, %swap3A_325], %concatenate3A_324 {strides = array<i32>} : memref<2560x128xf32, #tpu.memory_space<vmem>>, vector<2560x128xf32>,
    return
  }
  func.func @transform_0(%arg0: i32) -> (i32, i32) {
    %c0_i32 = arith.constant 0 : i32
    %c0_i32_0 = arith.constant 0 : i32
    return %arg0, %c0_i32 : i32, i32
  }
  func.func @transform_1(%arg0: i32) -> (i32, i32) {
    %c0_i32 = arith.constant 0 : i32
    %c0_i32_0 = arith.constant 0 : i32
    return %arg0, %c0_i32 : i32, i32
  }
  func.func @transform_2(%arg0: i32) -> (i32, i32) {
    %c0_i32 = arith.constant 0 : i32
    %c0_i32_0 = arith.constant 0 : i32
    %c0_i32_1 = arith.constant 0 : i32
    return %c0_i32, %c0_i32_0 : i32, i32
  }
  func.func @transform_3(%arg0: i32) -> (i32, i32) {
    %c0_i32 = arith.constant 0 : i32
    %c0_i32_0 = arith.constant 0 : i32
    %c0_i32_1 = arith.constant 0 : i32
    return %c0_i32, %c0_i32_0 : i32, i32
  }
  func.func @transform_4(%arg0: i32) -> (i32, i32) {
    %c0_i32 = arith.constant 0 : i32
    %c0_i32_0 = arith.constant 0 : i32
    %c0_i32_1 = arith.constant 0 : i32
    return %c0_i32, %c0_i32_0 : i32, i32
  }
  func.func @transform_5(%arg0: i32) -> (i32, i32) {
    %c0_i32 = arith.constant 0 : i32
    %c0_i32_0 = arith.constant 0 : i32
    return %arg0, %c0_i32 : i32, i32
  }
}

</mosaic_0001>

<sc_bundles>
// kernel: kernel.4.cloned.1.call-start
scs
__scs_entry_jumppad:
0x0: {  	(pc) =	sbr.rel $0x88, $3  }
0x1: {  	(tag) =	ssettag $0x0;
	lr =	simm.s32 $0x1  }
0x2: {  	[smem:$0x3F9D] =	sst lr;
	_ =	strace $0xD0000000  }
0x3: {  	_ = 	snop  }
0x4: {  	_ = 	snop  }
0x5: {  	_ = 	snop  }
0x6: {  	_ = 	snop  }
0x7: {  	_ = 	snop  }
__scs_overlays_trampoline_lowered:
0x8: {  	[smem:$0x3FAC] =	sst s0  }
0x9: {  	[smem:$0x3FAD] =	sst s1  }
0xa: {  	[smem:$0x3FAE] =	sst s2  }
0xb: {  	[smem:$0x3FAF] =	sst s3  }
0xc: {  	[smem:$0x3FB0] =	sst s4  }
0xd: {  	[smem:$0x3FB1] =	sst s5  }
0xe: {  	[smem:$0x3FB2] =	sst s6  }
0xf: {  	[smem:$0x3FB3] =	sst s7  }
0x10: {  	[smem:$0x3FB4] =	sst s8  }
0x11: {  	[smem:$0x3FB5] =	sst s9;
	s0 =	simm.s32 @!p0 $0x0  }
0x12: {  	s1 =	sld [smem:$0x3F9B];
	s0 =	simm.s32 @p0 $0x1  }
0x13: {  	[smem:$0x3FB6] =	sst s0;
	s0 =	simm.s32 @!p1 $0x0  }
0x14: {  	s2 =	sld [smem:$0x3F9A];
	s0 =	simm.s32 @p1 $0x1  }
0x15: {  	[smem:$0x3FB7] =	sst s0;
	s0 =	simm.s32 @!p2 $0x0  }
0x16: {  	s3 =	sld [smem:$0x3FDB];
	s0 =	simm.s32 @p2 $0x1  }
0x17: {  	s4 =	simm.s32 $0x1BF5;
	[smem:$0x3FB9] =	sst s0  }
0x18: {  	s0 =	sld [smem:$0x3F9C];
	_ =	swait.ge [sflag:s4], $0x0  }
0x19: {  	s7 =	sld [smem:$0x3F9D]  }
0x1a: {  	s8 =	sadd.s32 $0xFFFFE003, lr  }
0x1b: {  	s9 =	sadd.s32 $0xFFFFFEF7, lr;
	s5 =	simm.s32 $0xFFFFFFFF;
	p2 =	slt.u32 s8, $0xFFFFF086  }
0x1c: {  	p1 =	slt.u32 s9, $0xF7A;
	s5 =	simm.s32 @!p2 $0x0  }
0x1d: {  	s5 =	simm.s32 @p1 $0x1;
	p0 =	seq.s32 s7, s2  }
0x1e: {  	s7 =	smul.u32 @!p0 $0xF7A, s2;
	p2 =	seq.s32 @!p0 s5, $0x0  }
0x1f: {  	s9 =	smul.u32 $0xF7A, s1;
	s8 =	simm.s32 @!p0 $0x1BF5;
	p2 =	por !p2, p0  }
0x20: {  	[sflag:s8] =	ssyncset.s32 @!p0 $0xFFFFF086;
	s6 =	sadd.s32 @!p0 s3, s7;
	s7 =	simm.s32 @!p0 $0x108  }
0x21: {  	s3 =	sadd.s32 s3, s9;
	s6 =	sadd.s32 @!p0 $0x88, s6;
	s7 =	simm.s32 @p2 $0x1082  }
0x22: {  	[simem:s7], [sflag:s8] =	dma.local @!p0 [hbm:s6], $0xF7A  }
0x23: {  	s9 =	sor.u32 $0xD0000000, s2;
	s6 =	simm.s32 $0x108;
	_ =	swait.ge @!p0 [sflag:s8], $0x0  }
0x24: {  	s3 =	sadd.s32 $0x88, s3;
	s6 =	simm.s32 @!p1 $0x1082;
	[sflag:s4] =	ssyncset.s32 $0xFFFFF086  }
0x25: {  	[simem:s6], [sflag:s4] =	dma.local [hbm:s3], $0xF7A  }
0x26: {  	[smem:$0x3F9D] =	sst s1;
	(tag) =	ssettag s2;
	_ =	strace s9  }
0x27: {  	s1 =	sld [smem:$0x3FAD]  }
0x28: {  	s2 =	sld [smem:$0x3FAE]  }
0x29: {  	s4 =	sld [smem:$0x3FB0]  }
0x2a: {  	p0 =	seq.s32 s5, $0x0;
	s5 =	sld [smem:$0x3FB1]  }
0x2b: {  	s6 =	sld [smem:$0x3FB2]  }
0x2c: {  	s7 =	sld [smem:$0x3FB3]  }
0x2d: {  	s3 =	simm.s32 $0x108;
	s8 =	sld [smem:$0x3FB4]  }
0x2e: {  	s3 =	simm.s32 @!p0 $0x1082;
	s9 =	sld [smem:$0x3FB5]  }
0x2f: {  	lr =	sadd.s32 s0, s3;
	s0 =	sld [smem:$0x3FAC]  }
0x30: {  	s3 =	sld [smem:$0x3FAF]  }
0x31: {  	[smem:$0x3FB8] =	sst s10  }
0x32: {  	s10 =	sld [smem:$0x3FB6];
	_ =	sdelay $0x3  }
0x33: {  	p0 =	seq.s32 s10, $0x1;
	s10 =	sld [smem:$0x3FB8];
	_ =	sdelay $0x3  }
0x34: {  	[smem:$0x3FB8] =	sst s10  }
0x35: {  	s10 =	sld [smem:$0x3FB7];
	_ =	sdelay $0x3  }
0x36: {  	p1 =	seq.s32 s10, $0x1;
	s10 =	sld [smem:$0x3FB8];
	_ =	sdelay $0x3  }
0x37: {  	[smem:$0x3FB8] =	sst s10  }
0x38: {  	s10 =	sld [smem:$0x3FB9]  }
0x39: {  	_ = 	snop;
	(pc) =	sbr.ind lr, $3  }
0x3a: {  	_ = 	snop  }
0x3b: {  	_ = 	snop  }
0x3c: {  	p2 =	seq.s32 s10, $0x1;
	s10 =	sld [smem:$0x3FB8]  }
0x3d: {  	_ =	shalt  }
0x3e: {  	_ =	shalt  }
0x3f: {  	_ =	shalt  }
0x40: {  	_ =	shalt  }
0x41: {  	_ =	shalt  }
0x42: {  	_ =	shalt  }
0x43: {  	_ =	shalt  }
0x44: {  	_ =	shalt  }
0x45: {  	_ =	shalt  }
0x46: {  	_ =	shalt  }
0x47: {  	_ =	shalt  }
0x48: {  	_ =	shalt  }
0x49: {  	_ =	shalt  }
0x4a: {  	_ =	shalt  }
0x4b: {  	_ =	shalt  }
0x4c: {  	_ =	shalt  }
0x4d: {  	_ =	shalt  }
0x4e: {  	_ =	shalt  }
0x4f: {  	_ =	shalt  }
0x50: {  	_ =	shalt  }
0x51: {  	_ =	shalt  }
0x52: {  	_ =	shalt  }
0x53: {  	_ =	shalt  }
0x54: {  	_ =	shalt  }
0x55: {  	_ =	shalt  }
0x56: {  	_ =	shalt  }
0x57: {  	_ =	shalt  }
0x58: {  	_ =	shalt  }
0x59: {  	_ =	shalt  }
0x5a: {  	_ =	shalt  }
0x5b: {  	_ =	shalt  }
0x5c: {  	_ =	shalt  }
0x5d: {  	_ =	shalt  }
0x5e: {  	_ =	shalt  }
0x5f: {  	_ =	shalt  }
0x60: {  	_ =	shalt  }
0x61: {  	_ =	shalt  }
0x62: {  	_ =	shalt  }
0x63: {  	_ =	shalt  }
0x64: {  	_ =	shalt  }
0x65: {  	_ =	shalt  }
0x66: {  	_ =	shalt  }
0x67: {  	_ =	shalt  }
0x68: {  	_ =	shalt  }
0x69: {  	_ =	shalt  }
0x6a: {  	_ =	shalt  }
0x6b: {  	_ =	shalt  }
0x6c: {  	_ =	shalt  }
0x6d: {  	_ =	shalt  }
0x6e: {  	_ =	shalt  }
0x6f: {  	_ =	shalt  }
0x70: {  	_ =	shalt  }
0x71: {  	_ =	shalt  }
0x72: {  	_ =	shalt  }
0x73: {  	_ =	shalt  }
0x74: {  	_ =	shalt  }
0x75: {  	_ =	shalt  }
0x76: {  	_ =	shalt  }
0x77: {  	_ =	shalt  }
0x78: {  	_ =	shalt  }
0x79: {  	_ =	shalt  }
0x7a: {  	_ =	shalt  }
0x7b: {  	_ =	shalt  }
0x7c: {  	_ =	shalt  }
0x7d: {  	_ =	shalt  }
0x7e: {  	_ =	shalt  }
0x7f: {  	_ =	shalt  }
0x80: {  	_ =	shalt  }
0x81: {  	_ =	shalt  }
0x82: {  	_ =	shalt  }
0x83: {  	_ =	shalt  }
0x84: {  	_ =	shalt  }
0x85: {  	_ =	shalt  }
0x86: {  	_ =	shalt  }
0x87: {  	_ =	shalt  }
.Lfunc_end0:
.L_simem_size_0:
called_computation_lowered:
.L_overlay_start_0:
0x88: {  	s2 =	sld [smem:$0x3FD9]  }
0x89: {  	s3 =	sld [smem:$0x3FFE];
	_ =	sdelay $0x1  }
0x8a: {  	s1 =	srdreg.scid  }
0x8b: {  	s0 =	sand.u32 $0x1, s1  }
0x8c: {  	s17 =	sshll.u32 s0, $0xA;
	s2 =	sadd.s32 s3, s2  }
0x8d: {  	s2 =	sadd.s32 s2, s17  }
0x8e: {  	[smem:$0x3FC4] =	sst s2  }
0x8f: {  	_ = 	snop  }
0x90: {  	s2 =	sld [smem:$0x3FD0];
	(tm) =	ssettm $0x1  }
0x91: {  	s18 =	sld [smem:$0x3FFB];
	_ =	sdelay $0x3  }
0x92: {  	_ =	strace s18  }
0x93: {  	s3 =	sld [smem:$0x3FFC];
	_ =	sdelay $0x3  }
0x94: {  	_ =	strace s3  }
0x95: {  	s3 =	sld [smem:$0x3FFD];
	_ =	sdelay $0x3  }
0x96: {  	_ =	strace s3  }
0x97: {  	_ =	strace $0x8FFFFFFF  }
0x98: {  	s19 =	sld [smem:$0x3FDB];
	_ =	sdelay $0x1  }
0x99: {  	s4 =	simm.s32 $_scs_section_size  }
0x9a: {  	s5 =	simm.s32 $_size__tile_overlayer_lowered;
	s6 =	simm.s32 $_tile_overlayer_lowered  }
0x9b: {  	s22 =	simm.s32 $0x1BFF;
	s21 =	sshll.u32 s6, $0x1;
	s3 =	sadd.s32 s4, s19  }
0x9c: {  	s7 =	simm.s32 $0x0;
	s20 =	sshll.u32 s5, $0x1;
	s5 =	sadd.s32 s21, s3  }
0x9d: {  	[timem:s7], [sflag:s22] =	dma.local [hbm:s5], s20  }
0x9e: {  	_ =	swait.ge [sflag:s22], s20  }
0x9f: {  	s4 =	ssub.s32 $0x0, s20;
	[sflag:s22] =	ssyncset.done $0x0  }
0xa0: {  	[sflag:s22] =	ssyncadd.s32 s4;
	_ =	sdelay $0x1  }
0xa1: {  	s23 =	simm.s32 $0x1B8B  }
0xa2: {  	_ =	swait.ge [sflag:s23], $0x1  }
0xa3: {  	[sflag:s23] =	ssyncset.done $0x0  }
0xa4: {  	s25 =	simm.s32 $0x1B8E;
	s24 =	sld [smem:$0x3FFE];
	[sflag:s23] =	ssyncadd.s32 $0xFFFFFFFF  }
0xa5: {  	s26 =	simm.s32 $execute0_lowered;
	[smem:$0x3FD2] =	sst s25  }
0xa6: {  	s5 =	sshll.u32 s26, $0x1;
	_ =	strace $0x80000046;
	[dreg:$0x1] =	wrdreg $0xFFFFFFFF  }
0xa7: {  	s28 =	simm.s32 $_size_execute0_lowered;
	s3 =	sadd.s32 s3, s5;
	[dreg:$0x0] =	wrdreg $0x0  }
0xa8: {  	s5 =	sshll.u32 s28, $0x1;
	[dreg:$0x2] =	wrdreg s3  }
0xa9: {  	[dreg:$0x3] =	wrdreg s5  }
0xaa: {  	[dreg:$0x4] =	wrdreg $0xC0  }
0xab: {  	_ =	task [dreg:s7], $0x5FFFF  }
0xac: {  	[dreg:$0x1] =	wrdreg $0xFFFFFFFF  }
0xad: {  	[dreg:$0x0] =	wrdreg $0x60  }
0xae: {  	[dreg:$0x2] =	wrdreg s24  }
0xaf: {  	[dreg:$0x3] =	wrdreg s2  }
0xb0: {  	[dreg:$0x4] =	wrdreg $0x9  }
0xb1: {  	_ =	task.clear_ibuf [dreg:s7], $0x5FFFF;
	_ =	strace $0x90000046  }
0xb2: {  	s29 =	simm.s32 $0x9;
	_ =	strace $0x80000048  }
0xb3: {  	_ =	swait.ge [sflag:s29], $0x1  }
0xb4: {  	[sflag:s29] =	ssyncadd.s32 $0xFFFFFFFF  }
0xb5: {  	_ =	strace $0x90000048  }
0xb6: {  	_ =	sfence  }
0xb7: {  	s30 =	sld [smem:$0x0];
	_ =	sdelay $0x2  }
0xb8: {  	s31 =	sshll.u32 s1, $0xD;
	s1 =	sshrl.u32 s1, $0x2  }
0xb9: {  	s3 =	sand.u32 $0x4000, s31;
	s1 =	sadd.s32 s1, s30  }
0xba: {  	s0 =	sor.u32 s3, s0;
	s1 =	sshll.u32 s1, $0x11  }
0xbb: {  	s0 =	sor.u32 s1, s0  }
0xbc: {  	s0 =	sadd.s32 $0x8F2B, s0  }
0xbd: {  	[sflag:s0] =	ssyncadd.remote.s32 $0x1  }
0xbe: {  	_ =	sfence.sel $0xFFFF  }
0xbf: {  	[dreg:$0x0] =	wrdreg $0xFFFFFFFF;
	(pc) =	sbr.abs _section_cstart, $3  }
0xc0: {  	[dreg:$0x1] =	wrdreg $0xFFFFFFFF  }
0xc1: {  	_ =	task.clear_ibuf [dreg:s7], $0x2FFFF;
	_ =	strace $0x9FFFFFFF  }
0xc2: {  	(tm) =	ssettm $0x7FFFFFFF  }
0xc3: {  	_ =	shalt  }
tec
execute0_lowered:
.L_overlay_start_1:
0x0: {  	(tag) =	ssettag $0x1  }
0x1: {  	s1 =	srdreg.scid;
	s0 =	stileid.u32  }
0x2: {  	s17 =	sand.u32 $0x1, s1;
	s30 =	sshll.u32 s0, $0x1  }
0x3: {  	s5 =	rddreg [dreg:$0x0];
	s8 =	sor.u32 s17, s30  }
0x4: {  	s16 =	rddreg [dreg:$0x1];
	s18 =	smul.u32 $0x2710, s8  }
0x5: {  	s2 =	simm.s32 $0x0;
	s1 =	rddreg [dreg:$0x2]  }
0x6: {  	[smem:$0x7FF] =	sst s2;
	s15 =	sadd.s32 $0x5C00, s5;
	s3 =	sshrl.u32 s18, $0x3  }
0x7: {  	_ =	strace $0x80000047;
	s4 =	sadd.s32 s15, s3;
	s3 =	simm.s32 $0x2  }
0x8: {  	[tilespmem:s2], [sflag:$0x2] =	stream.linear.gather [hbm4b:s4+s2], $0x7D0, $0x38;
	[tilespmem:$0x84D0] =	vst v63  }
0x9: {  	_ =	swait.ge [sflag:s3], $0x7D0  }
0xa: {  	s6 =	simm.s32 $0x7D0;
	[sflag:s3] =	ssyncset.done $0x0  }
0xb: {  	s7 =	simm.s32 $0x1;
	s5 =	sadd.s32 $0xC00, s5;
	[sflag:s3] =	ssyncadd.s32 $0xFFFFF830  }
0xc: {  	[tilespmem:s6], [sflag:$0x1] =	stream.indirect.gather [hbm4b:s5+s6], $0x10, s2, s6, $0xb8;
	[tilespmem:$0x84D0] =	vst v63  }
0xd: {  	s8 =	smul.u32 $0x4E20, s8;
	_ =	swait.ge [sflag:s7], $0x7D00  }
0xe: {  	[sflag:s7] =	ssyncset.done $0x0  }
0xf: {  	s8 =	sadd.s32 s16, s8;
	[sflag:s7] =	ssyncadd.s32 $0xFFFF8300  }
0x10: {  	[hbm4b:s8+s2] =	stream.linear.scatter [tilespmem:s6], [sflag:$0x2], $0x7D00, $0x38;
	[tilespmem:$0x84D0] =	vst v63  }
0x11: {  	s10 =	sadd.s32 $0x7D0, s18;
	_ =	swait.ge [sflag:s3], $0x7D00  }
0x12: {  	s9 =	sshrl.u32 s10, $0x3;
	[sflag:s3] =	ssyncset.done $0x0  }
0x13: {  	s9 =	sadd.s32 s15, s9;
	[sflag:s3] =	ssyncadd.s32 $0xFFFF8300  }
0x14: {  	[tilespmem:s2], [sflag:$0x2] =	stream.linear.gather [hbm4b:s9+s2], $0x7D0, $0x38;
	[tilespmem:$0x84D0] =	vst v63  }
0x15: {  	_ =	swait.ge [sflag:s3], $0x7D0  }
0x16: {  	[sflag:s3] =	ssyncset.done $0x0  }
0x17: {  	[sflag:s3] =	ssyncadd.s32 $0xFFFFF830  }
0x18: {  	[tilespmem:s6], [sflag:$0x1] =	stream.indirect.gather [hbm4b:s5+s6], $0x10, s2, s6, $0xb8;
	[tilespmem:$0x84D0] =	vst v63  }
0x19: {  	_ =	swait.ge [sflag:s7], $0x7D00  }
0x1a: {  	s10 =	sshll.u32 s10, $0x1;
	[sflag:s7] =	ssyncset.done $0x0  }
0x1b: {  	s10 =	sadd.s32 s16, s10;
	[sflag:s7] =	ssyncadd.s32 $0xFFFF8300  }
0x1c: {  	[hbm4b:s10+s2] =	stream.linear.scatter [tilespmem:s6], [sflag:$0x2], $0x7D00, $0x38;
	[tilespmem:$0x84D0] =	vst v63  }
0x1d: {  	s12 =	sadd.s32 $0xFA0, s18;
	_ =	swait.ge [sflag:s3], $0x7D00  }
0x1e: {  	s11 =	sshrl.u32 s12, $0x3;
	[sflag:s3] =	ssyncset.done $0x0  }
0x1f: {  	s11 =	sadd.s32 s15, s11;
	[sflag:s3] =	ssyncadd.s32 $0xFFFF8300  }
0x20: {  	[tilespmem:s2], [sflag:$0x2] =	stream.linear.gather [hbm4b:s11+s2], $0x7D0, $0x38;
	[tilespmem:$0x84D0] =	vst v63  }
0x21: {  	_ =	swait.ge [sflag:s3], $0x7D0  }
0x22: {  	[sflag:s3] =	ssyncset.done $0x0  }
0x23: {  	[sflag:s3] =	ssyncadd.s32 $0xFFFFF830  }
0x24: {  	[tilespmem:s6], [sflag:$0x1] =	stream.indirect.gather [hbm4b:s5+s6], $0x10, s2, s6, $0xb8;
	[tilespmem:$0x84D0] =	vst v63  }
0x25: {  	_ =	swait.ge [sflag:s7], $0x7D00  }
0x26: {  	s12 =	sshll.u32 s12, $0x1;
	[sflag:s7] =	ssyncset.done $0x0  }
0x27: {  	s12 =	sadd.s32 s16, s12;
	[sflag:s7] =	ssyncadd.s32 $0xFFFF8300  }
0x28: {  	[hbm4b:s12+s2] =	stream.linear.scatter [tilespmem:s6], [sflag:$0x2], $0x7D00, $0x38;
	[tilespmem:$0x84D0] =	vst v63  }
0x29: {  	s14 =	sadd.s32 $0x1770, s18;
	_ =	swait.ge [sflag:s3], $0x7D00  }
0x2a: {  	s13 =	sshrl.u32 s14, $0x3;
	[sflag:s3] =	ssyncset.done $0x0  }
0x2b: {  	s13 =	sadd.s32 s15, s13;
	[sflag:s3] =	ssyncadd.s32 $0xFFFF8300  }
0x2c: {  	[tilespmem:s2], [sflag:$0x2] =	stream.linear.gather [hbm4b:s13+s2], $0x7D0, $0x38;
	[tilespmem:$0x84D0] =	vst v63  }
0x2d: {  	_ =	swait.ge [sflag:s3], $0x7D0  }
0x2e: {  	[sflag:s3] =	ssyncset.done $0x0  }
0x2f: {  	[sflag:s3] =	ssyncadd.s32 $0xFFFFF830  }
0x30: {  	[tilespmem:s6], [sflag:$0x1] =	stream.indirect.gather [hbm4b:s5+s6], $0x10, s2, s6, $0xb8;
	[tilespmem:$0x84D0] =	vst v63  }
0x31: {  	_ =	swait.ge [sflag:s7], $0x7D00  }
0x32: {  	s14 =	sshll.u32 s14, $0x1;
	[sflag:s7] =	ssyncset.done $0x0  }
0x33: {  	s14 =	sadd.s32 s16, s14;
	[sflag:s7] =	ssyncadd.s32 $0xFFFF8300  }
0x34: {  	[hbm4b:s14+s2] =	stream.linear.scatter [tilespmem:s6], [sflag:$0x2], $0x7D00, $0x38;
	[tilespmem:$0x84D0] =	vst v63  }
0x35: {  	s18 =	sadd.s32 $0x1F40, s18;
	_ =	swait.ge [sflag:s3], $0x7D00  }
0x36: {  	s19 =	sshrl.u32 s18, $0x3;
	[sflag:s3] =	ssyncset.done $0x0  }
0x37: {  	s17 =	ssub.s32 $0x2, s17;
	s15 =	sadd.s32 s15, s19;
	[sflag:s3] =	ssyncadd.s32 $0xFFFF8300  }
0x38: {  	[tilespmem:s2], [sflag:$0x2] =	stream.linear.gather [hbm4b:s15+s2], $0x7D0, $0x38;
	[tilespmem:$0x84D0] =	vst v63  }
0x39: {  	s31 =	sshrl.u32 s17, $0x1;
	_ =	swait.ge [sflag:s3], $0x7D0  }
0x3a: {  	s17 =	ssub.s32 s17, s31;
	[sflag:s3] =	ssyncset.done $0x0  }
0x3b: {  	s17 =	smax.u32 s17, $0x1;
	[sflag:s3] =	ssyncadd.s32 $0xFFFFF830  }
0x3c: {  	[tilespmem:s6], [sflag:$0x1] =	stream.indirect.gather [hbm4b:s5+s6], $0x10, s2, s6, $0xb8;
	[tilespmem:$0x84D0] =	vst v63  }
0x3d: {  	p0 =	sne.s32 s17, $0x1;
	_ =	swait.ge [sflag:s7], $0x7D00  }
.Ltmp0:
0x3e: {  	s18 =	sshll.u32 s18, $0x1;
	[sflag:s7] =	ssyncset.done $0x0;
	(pc) =	sbr.rel @!p0 .LBB2_2-.Ltmp0, $4  }
0x3f: {  	s16 =	sadd.s32 s16, s18;
	[sflag:s7] =	ssyncadd.s32 $0xFFFF8300  }
0x40: {  	[hbm4b:s16+s2] =	stream.linear.scatter [tilespmem:s6], [sflag:$0x2], $0x7D00, $0x38;
	[tilespmem:$0x84D0] =	vst v63  }
0x41: {  	_ =	swait.ge [sflag:s3], $0x7D00  }
0x42: {  	s17 =	sadd.s32 $0xFFFFFFFF, s17;
	[sflag:s3] =	ssyncset.done $0x0  }
.LBB2_1:
0x43: {  	p0 =	sne.s32 s17, $0x1;
	s17 =	sadd.s32 $0xFFFFFFFF, s17;
	[sflag:s3] =	ssyncadd.s32 $0xFFFF8300  }
0x44: {  	[tilespmem:s2], [sflag:$0x2] =	stream.linear.gather [hbm4b:s4+s2], $0x7D0, $0x38;
	[tilespmem:$0x84D0] =	vst v63  }
0x45: {  	_ =	swait.ge [sflag:s3], $0x7D0  }
0x46: {  	[sflag:s3] =	ssyncset.done $0x0  }
0x47: {  	[sflag:s3] =	ssyncadd.s32 $0xFFFFF830  }
0x48: {  	[tilespmem:s6], [sflag:$0x1] =	stream.indirect.gather [hbm4b:s5+s6], $0x10, s2, s6, $0xb8;
	[tilespmem:$0x84D0] =	vst v63  }
0x49: {  	_ =	swait.ge [sflag:s7], $0x7D00  }
0x4a: {  	[sflag:s7] =	ssyncset.done $0x0  }
0x4b: {  	[sflag:s7] =	ssyncadd.s32 $0xFFFF8300  }
0x4c: {  	[hbm4b:s8+s2] =	stream.linear.scatter [tilespmem:s6], [sflag:$0x2], $0x7D00, $0x38;
	[tilespmem:$0x84D0] =	vst v63  }
0x4d: {  	_ =	swait.ge [sflag:s3], $0x7D00  }
0x4e: {  	[sflag:s3] =	ssyncset.done $0x0  }
0x4f: {  	[sflag:s3] =	ssyncadd.s32 $0xFFFF8300  }
0x50: {  	[tilespmem:s2], [sflag:$0x2] =	stream.linear.gather [hbm4b:s9+s2], $0x7D0, $0x38;
	[tilespmem:$0x84D0] =	vst v63  }
0x51: {  	_ =	swait.ge [sflag:s3], $0x7D0  }
0x52: {  	[sflag:s3] =	ssyncset.done $0x0  }
0x53: {  	[sflag:s3] =	ssyncadd.s32 $0xFFFFF830  }
0x54: {  	[tilespmem:s6], [sflag:$0x1] =	stream.indirect.gather [hbm4b:s5+s6], $0x10, s2, s6, $0xb8;
	[tilespmem:$0x84D0] =	vst v63  }
0x55: {  	_ =	swait.ge [sflag:s7], $0x7D00  }
0x56: {  	[sflag:s7] =	ssyncset.done $0x0  }
0x57: {  	[sflag:s7] =	ssyncadd.s32 $0xFFFF8300  }
0x58: {  	[hbm4b:s10+s2] =	stream.linear.scatter [tilespmem:s6], [sflag:$0x2], $0x7D00, $0x38;
	[tilespmem:$0x84D0] =	vst v63  }
0x59: {  	_ =	swait.ge [sflag:s3], $0x7D00  }
0x5a: {  	[sflag:s3] =	ssyncset.done $0x0  }
0x5b: {  	[sflag:s3] =	ssyncadd.s32 $0xFFFF8300  }
0x5c: {  	[tilespmem:s2], [sflag:$0x2] =	stream.linear.gather [hbm4b:s11+s2], $0x7D0, $0x38;
	[tilespmem:$0x84D0] =	vst v63  }
0x5d: {  	_ =	swait.ge [sflag:s3], $0x7D0  }
0x5e: {  	[sflag:s3] =	ssyncset.done $0x0  }
0x5f: {  	[sflag:s3] =	ssyncadd.s32 $0xFFFFF830  }
0x60: {  	[tilespmem:s6], [sflag:$0x1] =	stream.indirect.gather [hbm4b:s5+s6], $0x10, s2, s6, $0xb8;
	[tilespmem:$0x84D0] =	vst v63  }
0x61: {  	_ =	swait.ge [sflag:s7], $0x7D00  }
0x62: {  	[sflag:s7] =	ssyncset.done $0x0  }
0x63: {  	[sflag:s7] =	ssyncadd.s32 $0xFFFF8300  }
0x64: {  	[hbm4b:s12+s2] =	stream.linear.scatter [tilespmem:s6], [sflag:$0x2], $0x7D00, $0x38;
	[tilespmem:$0x84D0] =	vst v63  }
0x65: {  	_ =	swait.ge [sflag:s3], $0x7D00  }
0x66: {  	[sflag:s3] =	ssyncset.done $0x0  }
0x67: {  	[sflag:s3] =	ssyncadd.s32 $0xFFFF8300  }
0x68: {  	[tilespmem:s2], [sflag:$0x2] =	stream.linear.gather [hbm4b:s13+s2], $0x7D0, $0x38;
	[tilespmem:$0x84D0] =	vst v63  }
0x69: {  	_ =	swait.ge [sflag:s3], $0x7D0  }
0x6a: {  	[sflag:s3] =	ssyncset.done $0x0  }
0x6b: {  	[sflag:s3] =	ssyncadd.s32 $0xFFFFF830  }
0x6c: {  	[tilespmem:s6], [sflag:$0x1] =	stream.indirect.gather [hbm4b:s5+s6], $0x10, s2, s6, $0xb8;
	[tilespmem:$0x84D0] =	vst v63  }
0x6d: {  	_ =	swait.ge [sflag:s7], $0x7D00  }
0x6e: {  	[sflag:s7] =	ssyncset.done $0x0  }
0x6f: {  	[sflag:s7] =	ssyncadd.s32 $0xFFFF8300  }
0x70: {  	[hbm4b:s14+s2] =	stream.linear.scatter [tilespmem:s6], [sflag:$0x2], $0x7D00, $0x38;
	[tilespmem:$0x84D0] =	vst v63  }
0x71: {  	_ =	swait.ge [sflag:s3], $0x7D00  }
0x72: {  	[sflag:s3] =	ssyncset.done $0x0  }
0x73: {  	[sflag:s3] =	ssyncadd.s32 $0xFFFF8300  }
0x74: {  	[tilespmem:s2], [sflag:$0x2] =	stream.linear.gather [hbm4b:s15+s2], $0x7D0, $0x38;
	[tilespmem:$0x84D0] =	vst v63  }
0x75: {  	_ =	swait.ge [sflag:s3], $0x7D0  }
0x76: {  	[sflag:s3] =	ssyncset.done $0x0  }
0x77: {  	[sflag:s3] =	ssyncadd.s32 $0xFFFFF830  }
0x78: {  	[tilespmem:s6], [sflag:$0x1] =	stream.indirect.gather [hbm4b:s5+s6], $0x10, s2, s6, $0xb8;
	[tilespmem:$0x84D0] =	vst v63  }
0x79: {  	_ =	swait.ge [sflag:s7], $0x7D00  }
.Ltmp1:
0x7a: {  	[sflag:s7] =	ssyncset.done $0x0;
	(pc) =	sbr.rel @p0 .LBB2_1-.Ltmp1, $4  }
0x7b: {  	[sflag:s7] =	ssyncadd.s32 $0xFFFF8300  }
0x7c: {  	[hbm4b:s16+s2] =	stream.linear.scatter [tilespmem:s6], [sflag:$0x2], $0x7D00, $0x38;
	[tilespmem:$0x84D0] =	vst v63  }
0x7d: {  	_ =	swait.ge [sflag:s3], $0x7D00  }
0x7e: {  	[sflag:s3] =	ssyncset.done $0x0  }
.LBB2_2:
0x7f: {  	[sflag:s3] =	ssyncadd.s32 $0xFFFF8300  }
0x80: {  	_ =	sfence.sel $0x180000  }
0x81: {  	[bflag:$0x0] =	sbarrier.arrive $0xFFFF  }
0x82: {  	p0 =	sne.s32 s0, $0x0;
	_ =	strace $0x90000047  }
0x83: {  	s0 =	sadd.s32 @!p0 $0x100000, s1;
	[bflag:$0x2] =	sbarrier.arrive $0xFFFF  }
0x84: {  	[sflag:s0] =	ssyncadd.tile.s32 @!p0 $0x1;
	_ =	shalt  }
.Lfunc_end2:
_tile_overlayer_lowered:
.L_overlay_start_2:
0x85: {  	(tag) =	ssettag $0x2  }
0x86: {  	s0 =	rddreg [dreg:$0x0];
	s2 =	stileid.u32  }
0x87: {  	s1 =	rddreg [dreg:$0x1];
	p0 =	sne.s32 s2, $0x0  }
0x88: {  	s3 =	rddreg [dreg:$0x2];
	[bflag:$0x3] =	sbarrier.arrive $0xFFFF;
	s2 =	simm.s32 @!p0 $0x1C02  }
0x89: {  	[timem:s3], [sflag:s2] =	dma.local @!p0 [hbm:s0], s1  }
0x8a: {  	s0 =	simm.s32 @!p0 $0x2  }
0x8b: {  	_ =	swait.ge @!p0 [sflag:s0], s1  }
0x8c: {  	s1 =	ssub.s32 @!p0 $0x0, s1;
	[sflag:s0] =	ssyncset.done @!p0 $0x0  }
0x8d: {  	[sflag:s0] =	ssyncadd.s32 @!p0 s1  }
0x8e: {  	[bflag:$0x3] =	sbarrier.arrive $0xFFFF  }
0x8f: {  	_ =	shalt  }

</sc_bundles>
